<compile_context>
chip_gen: v7x
topology: tpu7x:2x2x1
jax: 0.10.2.dev20260603
libtpu: 0.0.44.dev20260713+nightly
codegen_flags: <defaults>
</compile_context>

<pallas_src>
import functools

import jax
import jax.numpy as jnp
from jax import lax
from jax.experimental import pallas as pl
from jax.experimental.pallas import tpu as pltpu
from jax.experimental.pallas import tpu_sc as plsc

NPTS = 8192
NNB = 16
CF = 256
NROWS = NPTS * NNB
BP = 128
BR = BP * NNB
HI = lax.Precision.HIGHEST
F32 = jnp.float32
BIGF = 3.0e38
BIGI = 2**30


def _mm(a, b):
    return jax.lax.dot_general(a, b, (((1,), (0,)), ((), ())),
                               preferred_element_type=F32, precision=HI)


def _mmb(a, b):
    return jax.lax.dot_general(a.astype(jnp.bfloat16), b.astype(jnp.bfloat16),
                               (((1,), (0,)), ((), ())),
                               preferred_element_type=F32)


def _xq_body(x_ref, wt_ref, b_ref, o_ref):
    o_ref[...] = _mmb(x_ref[...], wt_ref[...]) + b_ref[...]


def _run_xq(x, WqT, bq_row):
    return pl.pallas_call(
        _xq_body,
        grid=(16,),
        in_specs=[
            pl.BlockSpec((512, CF), lambda i: (i, 0)),
            pl.BlockSpec((CF, CF), lambda i: (0, 0)),
            pl.BlockSpec((1, CF), lambda i: (0, 0)),
        ],
        out_specs=pl.BlockSpec((512, CF), lambda i: (i, 0)),
        out_shape=jax.ShapeDtypeStruct((NPTS, CF), F32),
    )(x, WqT, bq_row)


def _knn_body(pb_ref, pbT_ref, pf_ref, pfT_ref, o_ref, d2_ref):
    dot = jax.lax.dot_general(pb_ref[...], pbT_ref[...],
                              (((1,), (0,)), ((), ())),
                              preferred_element_type=F32)
    pf = pf_ref[...]
    px, py, pz = pf[:, 0:1], pf[:, 1:2], pf[:, 2:3]
    sqc = (px * px + py * py) + pz * pz
    pfT = pfT_ref[...]
    qx, qy, qz = pfT[0:1, :], pfT[1:2, :], pfT[2:3, :]
    sqr = (qx * qx + qy * qy) + qz * qz
    d2_ref[...] = (sqc + sqr) - 2.0 * dot
    rows = jax.lax.broadcasted_iota(jnp.int32, (NPTS, 128), 0)

    def rnd(k, im_prev):
        d2m = jnp.where(rows == im_prev, BIGF, d2_ref[...])
        d2_ref[...] = d2m
        im = jnp.argmin(d2m, axis=0).reshape(1, 128)
        o_ref[pl.ds(k, 1), :] = im
        return im

    lax.fori_loop(0, NNB, rnd, jnp.full((1, 128), -1, jnp.int32))


def _run_knn(p16b, p16bT, p16, p16T):
    return pl.pallas_call(
        _knn_body,
        grid=(64,),
        in_specs=[
            pl.BlockSpec((NPTS, 16), lambda i: (0, 0)),
            pl.BlockSpec((16, 128), lambda i: (0, i)),
            pl.BlockSpec((NPTS, 16), lambda i: (0, 0)),
            pl.BlockSpec((16, 128), lambda i: (0, i)),
        ],
        out_specs=pl.BlockSpec((16, 128), lambda i: (0, i)),
        out_shape=jax.ShapeDtypeStruct((NNB, NPTS), jnp.int32),
        scratch_shapes=[pltpu.VMEM((NPTS, 128), F32)],
    )(p16b, p16bT, p16, p16T)


CW = 384


def _make_gather():
    info = plsc.get_sparse_core_info()
    ncores, nsub = info.num_cores, info.num_subcores
    nworkers = ncores * nsub
    rows_per = NROWS // nworkers
    chunk = 128
    nchunks = rows_per // chunk
    mesh = plsc.VectorSubcoreMesh(core_axis_name="c", subcore_axis_name="s")

    @functools.partial(
        pl.kernel, mesh=mesh,
        out_type=jax.ShapeDtypeStruct((NROWS, CW), F32),
        scratch_types=[
            pltpu.VMEM((chunk,), jnp.int32),
            pltpu.VMEM((chunk, CW), F32),
            pltpu.SemaphoreType.DMA,
        ],
    )
    def gather(xp_hbm, idx_hbm, gxp_hbm, idx_v, rows_v, sem1):
        wid = lax.axis_index("s") * ncores + lax.axis_index("c")

        def body(c, carry):
            base = wid * rows_per + c * chunk
            pltpu.sync_copy(idx_hbm.at[pl.ds(base, chunk)], idx_v)
            pltpu.async_copy(xp_hbm.at[idx_v], rows_v, sem1).wait()
            pltpu.sync_copy(rows_v, gxp_hbm.at[pl.ds(base, chunk)])
            return carry

        lax.fori_loop(0, nchunks, body, 0)

    return gather


def _pr_block(y1_ref, a1_ref, c1_ref, w2t_ref, b2_ref):
    z1 = jnp.maximum(y1_ref[...] * a1_ref[...] + c1_ref[...], 0.0)
    return _mmb(z1, w2t_ref[...]) + b2_ref[...]


def _acc_stats(s_ref, vals, width):
    s = jnp.sum(vals, axis=0, keepdims=True)
    q = jnp.sum(vals * vals, axis=0, keepdims=True)
    part = jnp.concatenate([s, q, jnp.zeros((6, width), F32)], axis=0)

    @pl.when(pl.program_id(0) == 0)
    def _():
        s_ref[...] = jnp.zeros_like(s_ref)

    s_ref[...] += part


def _stats1_body(gp_ref, pq_ref, w1t_ref, y1o_ref, s_ref):
    gp3 = gp_ref[...][:, :16].reshape(BP, NNB, 16) - pq_ref[...][:, None, :]
    y1 = _mm(gp3.reshape(BR, 16), w1t_ref[...])
    y1o_ref[...] = y1
    _acc_stats(s_ref, y1, 16)


def _run_stats1(g_p, p16, W1T):
    return pl.pallas_call(
        _stats1_body,
        grid=(NPTS // BP,),
        in_specs=[
            pl.BlockSpec((BR, 128), lambda i: (i, 2)),
            pl.BlockSpec((BP, 16), lambda i: (i, 0)),
            pl.BlockSpec((16, 16), lambda i: (0, 0)),
        ],
        out_specs=[
            pl.BlockSpec((BR, 16), lambda i: (i, 0)),
            pl.BlockSpec((8, 16), lambda i: (0, 0)),
        ],
        out_shape=[
            jax.ShapeDtypeStruct((NROWS, 16), F32),
            jax.ShapeDtypeStruct((8, 16), F32),
        ],
    )(g_p, p16, W1T)


def _w0_block(gx_ref, y1_ref, xq_ref, wkt_ref, bk_ref,
              a1_ref, c1_ref, w2t_ref, b2_ref):
    g_k = _mmb(gx_ref[...], wkt_ref[...]) + bk_ref[...]
    p_r = _pr_block(y1_ref, a1_ref, c1_ref, w2t_ref, b2_ref)
    w03 = (g_k.reshape(BP, NNB, CF) - xq_ref[...][:, None, :]
           + p_r.reshape(BP, NNB, CF))
    return w03.reshape(BR, CF), p_r


def _alpha_body(gx_ref, y1_ref, xq_ref, wkt_ref, bk_ref,
                a1_ref, c1_ref, w2t_ref, b2_ref, s_ref):
    w0, _ = _w0_block(gx_ref, y1_ref, xq_ref, wkt_ref, bk_ref,
                      a1_ref, c1_ref, w2t_ref, b2_ref)
    _acc_stats(s_ref, w0, CF)


def _big_specs():
    return [
        pl.BlockSpec((BR, CF), lambda i: (i, 0)),
        pl.BlockSpec((BR, 16), lambda i: (i, 0)),
        pl.BlockSpec((BP, CF), lambda i: (i, 0)),
        pl.BlockSpec((CF, CF), lambda i: (0, 0)),
        pl.BlockSpec((1, CF), lambda i: (0, 0)),
        pl.BlockSpec((1, 16), lambda i: (0, 0)),
        pl.BlockSpec((1, 16), lambda i: (0, 0)),
        pl.BlockSpec((16, CF), lambda i: (0, 0)),
        pl.BlockSpec((1, CF), lambda i: (0, 0)),
    ]


def _run_alpha(args):
    return pl.pallas_call(
        _alpha_body,
        grid=(NPTS // BP,),
        in_specs=_big_specs(),
        out_specs=pl.BlockSpec((8, CF), lambda i: (0, 0)),
        out_shape=jax.ShapeDtypeStruct((8, CF), F32),
    )(*args)


def _beta_body(gx_ref, y1_ref, xq_ref, wkt_ref, bk_ref,
               a1_ref, c1_ref, w2t_ref, b2_ref,
               a2_ref, c2_ref, wc1t_ref, bc1_ref, w1o_ref, s_ref):
    w0, _ = _w0_block(gx_ref, y1_ref, xq_ref, wkt_ref, bk_ref,
                      a1_ref, c1_ref, w2t_ref, b2_ref)
    z2 = jnp.maximum(w0 * a2_ref[...] + c2_ref[...], 0.0)
    w1 = _mmb(z2, wc1t_ref[...]) + bc1_ref[...]
    w1o_ref[...] = w1
    _acc_stats(s_ref, w1, 32)


def _run_beta(args):
    specs = _big_specs() + [
        pl.BlockSpec((1, CF), lambda i: (0, 0)),
        pl.BlockSpec((1, CF), lambda i: (0, 0)),
        pl.BlockSpec((CF, 32), lambda i: (0, 0)),
        pl.BlockSpec((1, 32), lambda i: (0, 0)),
    ]
    return pl.pallas_call(
        _beta_body,
        grid=(NPTS // BP,),
        in_specs=specs,
        out_specs=[
            pl.BlockSpec((BR, 32), lambda i: (i, 0)),
            pl.BlockSpec((8, 32), lambda i: (0, 0)),
        ],
        out_shape=[
            jax.ShapeDtypeStruct((NROWS, 32), F32),
            jax.ShapeDtypeStruct((8, 32), F32),
        ],
    )(*args)


def _gamma_body(w1_ref, gx_ref, y1_ref, wvt_ref, bv_ref,
                a1_ref, c1_ref, w2t_ref, b2_ref,
                a3_ref, c3_ref, wc2t_ref, bc2_ref, o_ref):
    z3 = jnp.maximum(w1_ref[...] * a3_ref[...] + c3_ref[...], 0.0)
    w2 = _mm(z3, wc2t_ref[...]) + bc2_ref[...]
    w23 = w2.reshape(BP, NNB, 32)
    mx = jnp.max(w23, axis=1, keepdims=True)
    ex = jnp.exp(w23 - mx)
    att = ex / jnp.sum(ex, axis=1, keepdims=True)
    att_t = jnp.concatenate([att] * 8, axis=2)
    g_v = _mmb(gx_ref[...], wvt_ref[...]) + bv_ref[...]
    p_r = _pr_block(y1_ref, a1_ref, c1_ref, w2t_ref, b2_ref)
    h = (g_v + p_r).reshape(BP, NNB, CF)
    o_ref[...] = jnp.sum(h * att_t, axis=1)


def _run_gamma(w1, gx, y1, WvT, bv_row, A1, C1, W2T, bp2_row,
               A3, C3, Wc2T, bc2_row):
    specs = [
        pl.BlockSpec((BR, 32), lambda i: (i, 0)),
        pl.BlockSpec((BR, CF), lambda i: (i, 0)),
        pl.BlockSpec((BR, 16), lambda i: (i, 0)),
        pl.BlockSpec((CF, CF), lambda i: (0, 0)),
        pl.BlockSpec((1, CF), lambda i: (0, 0)),
        pl.BlockSpec((1, 16), lambda i: (0, 0)),
        pl.BlockSpec((1, 16), lambda i: (0, 0)),
        pl.BlockSpec((16, CF), lambda i: (0, 0)),
        pl.BlockSpec((1, CF), lambda i: (0, 0)),
        pl.BlockSpec((1, 32), lambda i: (0, 0)),
        pl.BlockSpec((1, 32), lambda i: (0, 0)),
        pl.BlockSpec((32, 32), lambda i: (0, 0)),
        pl.BlockSpec((1, 32), lambda i: (0, 0)),
    ]
    return pl.pallas_call(
        _gamma_body,
        grid=(NPTS // BP,),
        in_specs=specs,
        out_specs=pl.BlockSpec((BP, CF), lambda i: (i, 0)),
        out_shape=jax.ShapeDtypeStruct((NPTS, CF), F32),
    )(w1, gx, y1, WvT, bv_row, A1, C1, W2T, bp2_row,
      A3, C3, Wc2T, bc2_row)


def kernel(p, x, o, Wq, bq, Wk, bk, Wv, bv, Wp1, bp1, g1, be1, Wp2, bp2,
           g2, be2, Wc1, bc1, g3, be3, Wc2, bc2):
    row = lambda v: v[None, :]
    p16 = jnp.pad(p, ((0, 0), (0, 13)))
    p16b = p16.astype(jnp.bfloat16)
    W1T = jnp.pad(Wp1, ((0, 13), (0, 13))).T
    W2T = jnp.pad(Wp2, ((0, 0), (0, 13))).T

    x_q = _run_xq(x, Wq.T, row(bq))
    idxT = _run_knn(p16b, p16b.T, p16, p16.T)
    idxf = idxT.T.reshape(-1)

    xp = jnp.concatenate([x, p16, jnp.zeros((NPTS, CW - CF - 16), F32)],
                         axis=1)
    g_xp = _make_gather()(xp, idxf)

    M = float(NROWS)
    y1, st1 = _run_stats1(g_xp, p16, W1T)
    m1 = st1[0] / M
    v1 = st1[1] / M - m1 * m1
    A1 = jnp.pad(g1, (0, 13)) / jnp.sqrt(v1 + 1e-5)
    C1 = jnp.pad(be1, (0, 13)) - m1 * A1

    big = (g_xp, y1, x_q, Wk.T, row(bk), row(A1), row(C1),
           W2T, row(bp2))
    st2 = _run_alpha(big)
    m2 = st2[0] / M
    v2 = st2[1] / M - m2 * m2
    A2 = g2 / jnp.sqrt(v2 + 1e-5)
    C2 = be2 - m2 * A2

    w1, st3 = _run_beta(big + (row(A2), row(C2), Wc1.T, row(bc1)))
    m3 = st3[0, :32] / M
    v3 = st3[1, :32] / M - m3 * m3
    A3 = g3 / jnp.sqrt(v3 + 1e-5)
    C3 = be3 - m3 * A3

    out = _run_gamma(w1, g_xp, y1, Wv.T, row(bv), row(A1), row(C1),
                     W2T, row(bp2), row(A3), row(C3), Wc2.T, row(bc2))
    return out

# --- scband reference (transcript-rebuilt; emitter-appended) ---
"""Pipeline reference for scband-point-transformer-layer-79164837200444 (READ-ONLY COPY).

The authoritative reference and input builder live on the scoring server;
editing this copy changes nothing except your own understanding.
"""

import jax, jax.numpy as jnp
import numpy as np

N = 8192
C_IN = 256
C_OUT = 256
MID = 256
S = 8
NS = 16


def _bn(x, g, b, eps=1e-5):
    # training-mode BatchNorm1d over [n, C, L]: stats over (n, L)
    m = x.mean(axis=(0, 2), keepdims=True)
    v = x.var(axis=(0, 2), keepdims=True)
    return (x - m) / jnp.sqrt(v + eps) * g[None, :, None] + b[None, :, None]


def _conv1(x, W, b):
    # Conv1d with kernel_size=1: pointwise linear over channel dim. x: [n, C, L], W: [O, C]
    return jnp.einsum('ncl,oc->nol', x, W) + b[None, :, None]


def setup_inputs(seed: int = 0):
    key = jax.random.key(seed)
    ks = jax.random.split(key, 16)

    def lin(k, o, i):
        s = 1.0 / np.sqrt(i)
        return jax.random.uniform(k, (o, i), jnp.float32, -s, s)

    p = jax.random.uniform(ks[0], (N, 3), jnp.float32) * 10.0
    x = jax.random.normal(ks[1], (N, C_IN), jnp.float32)
    o = jnp.array([N], dtype=jnp.int32)
    return {
        'p': p, 'x': x, 'o': o,
        'Wq': lin(ks[2], MID, C_IN), 'bq': jnp.zeros((MID,), jnp.float32),
        'Wk': lin(ks[3], MID, C_IN), 'bk': jnp.zeros((MID,), jnp.float32),
        'Wv': lin(ks[4], C_OUT, C_IN), 'bv': jnp.zeros((C_OUT,), jnp.float32),
        'Wp1': lin(ks[5], 3, 3), 'bp1': jnp.zeros((3,), jnp.float32),
        'g1': jnp.ones((3,), jnp.float32), 'be1': jnp.zeros((3,), jnp.float32),
        'Wp2': lin(ks[6], C_OUT, 3), 'bp2': jnp.zeros((C_OUT,), jnp.float32),
        'g2': jnp.ones((MID,), jnp.float32), 'be2': jnp.zeros((MID,), jnp.float32),
        'Wc1': lin(ks[7], MID // S, MID), 'bc1': jnp.zeros((MID // S,), jnp.float32),
        'g3': jnp.ones((MID // S,), jnp.float32), 'be3': jnp.zeros((MID // S,), jnp.float32),
        'Wc2': lin(ks[8], C_OUT // S, C_OUT // S), 'bc2': jnp.zeros((C_OUT // S,), jnp.float32),
    }


def reference(p, x, o, Wq, bq, Wk, bk, Wv, bv, Wp1, bp1, g1, be1, Wp2, bp2, g2, be2, Wc1, bc1, g3, be3, Wc2, bc2):
    # linear q/k/v
    x_q = x @ Wq.T + bq
    x_k = x @ Wk.T + bk
    x_v = x @ Wv.T + bv
    # pointops.queryandgroup: exact kNN (single batch segment, o=[N]) then gather
    sq = (p * p).sum(axis=1)
    d2 = sq[:, None] + sq[None, :] - 2.0 * (p @ p.T)
    _, idx = jax.lax.top_k(-d2, NS)  # [N, NS], self included
    g_p = p[idx] - p[:, None, :]     # relative xyz (use_xyz=True prefix)
    g_k = x_k[idx]                   # [N, NS, MID]
    g_v = x_v[idx]                   # [N, NS, C_OUT] (use_xyz=False)
    # linear_p on relative positions
    p_r = g_p.transpose(0, 2, 1)     # [N, 3, NS]
    p_r = _conv1(p_r, Wp1, bp1)
    p_r = jax.nn.relu(_bn(p_r, g1, be1))
    p_r = _conv1(p_r, Wp2, bp2)      # [N, C_OUT, NS]
    p_r = p_r.transpose(0, 2, 1)     # [N, NS, C_OUT]
    # attention weights
    w = g_k - x_q[:, None, :] + p_r.reshape(N, NS, C_OUT // MID, MID).sum(axis=2)
    w = w.transpose(0, 2, 1)         # [N, MID, NS]
    w = jax.nn.relu(_bn(w, g2, be2))
    w = _conv1(w, Wc1, bc1)
    w = jax.nn.relu(_bn(w, g3, be3))
    w = _conv1(w, Wc2, bc2)          # [N, C_OUT//S, NS]
    w = w.transpose(0, 2, 1)         # [N, NS, C_OUT//S]
    w = jax.nn.softmax(w, axis=1)
    out = ((g_v + p_r).reshape(N, NS, S, C_OUT // S) * w[:, :, None, :]).sum(axis=1).reshape(N, C_OUT)
    return out

if __name__ == "__main__":
    import jax
    _d = setup_inputs()
    print(jax.jit(kernel)(*tuple(_d.values())))

</pallas_src>

<mosaic_0001>
#map = affine_map<(d0, d1) -> (0, 0)>
#map1 = affine_map<(d0, d1) -> (0)>
module attributes {stable_mosaic.version = 14 : i64} {
  func.func @gather(%arg0: i32, %arg1: i32, %arg2: memref<8192x384xf32, #tpu.memory_space<hbm>>, %arg3: memref<131072xi32, #tpu.memory_space<hbm>>, %arg4: memref<131072x384xf32, #tpu.memory_space<hbm>>, %arg5: memref<128xi32, #tpu.memory_space<vmem>>, %arg6: memref<128x384xf32, #tpu.memory_space<vmem>>, %arg7: memref<!tpu.dma_semaphore, #tpu.memory_space<semaphore_mem>>) attributes {dimension_semantics = [#tpu.dimension_semantics<core_parallel>, #tpu.dimension_semantics<subcore_parallel>], iteration_bounds = array<i64: 2, 16>, scalar_prefetch = 0 : i64, scratch_operands = 3 : i64, tpu.core_type = #tpu.core_type<sc_vector_subcore>, window_params = [{transform_indices = #map}, {transform_indices = #map1}, {transform_indices = #map}]} {
    %mul3A = arith.constant 2 : i32
    %mul3A_0 = arith.muli %arg1, %mul3A : i32
    %add3A = arith.addi %mul3A_0, %arg0 : i32
    %scan3A = arith.constant 0 : i32
    %scan3A_1 = arith.constant 0 : i32
    %scan3A_2 = arith.constant 32 : i32
    %scan3A_3 = arith.addi %scan3A_1, %scan3A_2 : i32
    %scan3A_4 = arith.constant 1 : i32
    scf.for %scan3A_6 = %scan3A_1 to %scan3A_3 step %scan3A_4  : i32 {
      %mul3A_7 = arith.constant 4096 : i32
      %mul3A_8 = arith.muli %add3A, %mul3A_7 : i32
      %mul3A_9 = arith.constant 128 : i32
      %mul3A_10 = arith.muli %scan3A_6, %mul3A_9 : i32
      %add3A_11 = arith.addi %mul3A_8, %mul3A_10 : i32
      "tpu.region"() ({
        %run_scoped3A = tpu.sem_alloc : memref<!tpu.dma_semaphore, #tpu.memory_space<semaphore_mem>>
        %dma_start3A_16 = tpu.memref_slice %arg3[%add3A_11] : memref<131072xi32, #tpu.memory_space<hbm>> -> memref<128xi32, #tpu.memory_space<hbm>>
        %dma_start3A_17 = tpu.memref_slice %arg3[%add3A_11] : memref<131072xi32, #tpu.memory_space<hbm>> -> memref<128xi32, #tpu.memory_space<hbm>>
        tpu.enqueue_dma source(%dma_start3A_17 : memref<128xi32, #tpu.memory_space<hbm>>) target(%arg5 : memref<128xi32, #tpu.memory_space<vmem>>) target_semaphore(%run_scoped3A : memref<!tpu.dma_semaphore, #tpu.memory_space<semaphore_mem>>)
        %dma_wait3A_18 = tpu.memref_slice %arg3[%add3A_11] : memref<131072xi32, #tpu.memory_space<hbm>> -> memref<128xi32, #tpu.memory_space<hbm>>
        %dma_wait3A_19 = tpu.memref_slice %arg3[%add3A_11] : memref<131072xi32, #tpu.memory_space<hbm>> -> memref<128xi32, #tpu.memory_space<hbm>>
        tpu.wait_dma2 semaphore(%run_scoped3A : memref<!tpu.dma_semaphore, #tpu.memory_space<semaphore_mem>>) src(%dma_wait3A_19 : memref<128xi32, #tpu.memory_space<hbm>>) dst(%arg5 : memref<128xi32, #tpu.memory_space<vmem>>)
        tpu.yield
      }) : () -> ()
      %dma_start3A = arith.constant 0 : i32
      %dma_start3A_12 = arith.constant 0 : i32
      %dma_start3A_13 = tpu.memref_slice %arg2[%dma_start3A, %dma_start3A_12] : memref<8192x384xf32, #tpu.memory_space<hbm>> -> memref<8192x384xf32, #tpu.memory_space<hbm>>
      tpu.enqueue_indirect_dma source(%dma_start3A_13 : memref<8192x384xf32, #tpu.memory_space<hbm>>) target(%arg6 : memref<128x384xf32, #tpu.memory_space<vmem>>) offsets(%arg5 : memref<128xi32, #tpu.memory_space<vmem>>) semaphore(%arg7 : memref<!tpu.dma_semaphore, #tpu.memory_space<semaphore_mem>>)
      %dma_wait3A = arith.constant 0 : i32
      %dma_wait3A_14 = arith.constant 0 : i32
      %dma_wait3A_15 = tpu.memref_slice %arg2[%dma_wait3A, %dma_wait3A_14] : memref<8192x384xf32, #tpu.memory_space<hbm>> -> memref<8192x384xf32, #tpu.memory_space<hbm>>
      tpu.wait_indirect_dma semaphore(%arg7 : memref<!tpu.dma_semaphore, #tpu.memory_space<semaphore_mem>>) src(%dma_wait3A_15 : memref<8192x384xf32, #tpu.memory_space<hbm>>) dst(%arg6 : memref<128x384xf32, #tpu.memory_space<vmem>>)
      "tpu.region"() ({
        %run_scoped3A = tpu.sem_alloc : memref<!tpu.dma_semaphore, #tpu.memory_space<semaphore_mem>>
        %dma_start3A_16 = arith.constant 0 : i32
        %dma_start3A_17 = tpu.memref_slice %arg4[%add3A_11, %dma_start3A_16] : memref<131072x384xf32, #tpu.memory_space<hbm>> -> memref<128x384xf32, #tpu.memory_space<hbm>>
        %dma_start3A_18 = arith.constant 0 : i32
        %dma_start3A_19 = tpu.memref_slice %arg4[%add3A_11, %dma_start3A_18] : memref<131072x384xf32, #tpu.memory_space<hbm>> -> memref<128x384xf32, #tpu.memory_space<hbm>>
        tpu.enqueue_dma source(%arg6 : memref<128x384xf32, #tpu.memory_space<vmem>>) target(%dma_start3A_19 : memref<128x384xf32, #tpu.memory_space<hbm>>) target_semaphore(%run_scoped3A : memref<!tpu.dma_semaphore, #tpu.memory_space<semaphore_mem>>)
        %dma_wait3A_20 = arith.constant 0 : i32
        %dma_wait3A_21 = tpu.memref_slice %arg4[%add3A_11, %dma_wait3A_20] : memref<131072x384xf32, #tpu.memory_space<hbm>> -> memref<128x384xf32, #tpu.memory_space<hbm>>
        %dma_wait3A_22 = arith.constant 0 : i32
        %dma_wait3A_23 = tpu.memref_slice %arg4[%add3A_11, %dma_wait3A_22] : memref<131072x384xf32, #tpu.memory_space<hbm>> -> memref<128x384xf32, #tpu.memory_space<hbm>>
        tpu.wait_dma2 semaphore(%run_scoped3A : memref<!tpu.dma_semaphore, #tpu.memory_space<semaphore_mem>>) src(%arg6 : memref<128x384xf32, #tpu.memory_space<vmem>>) dst(%dma_wait3A_23 : memref<128x384xf32, #tpu.memory_space<hbm>>)
        tpu.yield
      }) : () -> ()
    }
    %scan3A_5 = arith.constant 32 : i32
    return
  }
}

module attributes {stable_mosaic.version = 14 : i64} {
  func.func @_knn_body(%arg0: i32, %arg1: memref<8192x16xbf16, #tpu.memory_space<vmem>>, %arg2: memref<16x128xbf16, #tpu.memory_space<vmem>>, %arg3: memref<8192x16xf32, #tpu.memory_space<vmem>>, %arg4: memref<16x128xf32, #tpu.memory_space<vmem>>, %arg5: memref<16x128xi32, #tpu.memory_space<vmem>>, %arg6: memref<8192x128xf32, #tpu.memory_space<vmem>>) attributes {dimension_semantics = [#tpu.dimension_semantics<arbitrary>], iteration_bounds = array<i64: 64>, scalar_prefetch = 0 : i64, scratch_operands = 1 : i64, tpu.core_type = #tpu.core_type<tc>, window_params = [{pipeline_mode = #tpu.pipeline_mode<synchronous>, transform_indices = @transform_0, window_bounds = array<i64: 8192, 16>}, {transform_indices = @transform_1, window_bounds = array<i64: 16, 128>}, {pipeline_mode = #tpu.pipeline_mode<synchronous>, transform_indices = @transform_2, window_bounds = array<i64: 8192, 16>}, {transform_indices = @transform_3, window_bounds = array<i64: 16, 128>}, {transform_indices = @transform_4, window_bounds = array<i64: 16, 128>}]} {
    %get3A = arith.constant 0 : index
    %get3A_0 = arith.constant 0 : index
    %get3A_1 = vector.load %arg1[%get3A, %get3A_0] : memref<8192x16xbf16, #tpu.memory_space<vmem>>, vector<8192x16xbf16>
    %get3A_2 = arith.constant 0 : index
    %get3A_3 = arith.constant 0 : index
    %get3A_4 = vector.load %arg2[%get3A_2, %get3A_3] : memref<16x128xbf16, #tpu.memory_space<vmem>>, vector<16x128xbf16>
    %dot_general3A = arith.constant dense<0.000000e+00> : vector<8192x128xf32>
    %dot_general3A_5 = tpu.matmul %get3A_1, %get3A_4, %dot_general3A {dimension_numbers = #tpu.dot_dimension_numbers<[1], [0], [0], [1], [0, 0, 1, 1], [], []>, transpose_lhs_hint = false} : vector<8192x16xbf16>, vector<16x128xbf16>, vector<8192x128xf32> -> vector<8192x128xf32>
    %get3A_6 = arith.constant 0 : index
    %get3A_7 = arith.constant 0 : index
    %get3A_8 = vector.load %arg3[%get3A_6, %get3A_7] : memref<8192x16xf32, #tpu.memory_space<vmem>>, vector<8192x16xf32>
    %slice3A = vector.extract_strided_slice %get3A_8 {offsets = [0, 0], sizes = [8192, 1], strides = [1, 1]} : vector<8192x16xf32> to vector<8192x1xf32>
    %slice3A_9 = vector.extract_strided_slice %get3A_8 {offsets = [0, 1], sizes = [8192, 1], strides = [1, 1]} : vector<8192x16xf32> to vector<8192x1xf32>
    %slice3A_10 = vector.extract_strided_slice %get3A_8 {offsets = [0, 2], sizes = [8192, 1], strides = [1, 1]} : vector<8192x16xf32> to vector<8192x1xf32>
    %mul3A = arith.mulf %slice3A, %slice3A : vector<8192x1xf32>
    %mul3A_11 = arith.mulf %slice3A_9, %slice3A_9 : vector<8192x1xf32>
    %add3A = arith.addf %mul3A, %mul3A_11 : vector<8192x1xf32>
    %mul3A_12 = arith.mulf %slice3A_10, %slice3A_10 : vector<8192x1xf32>
    %add3A_13 = arith.addf %add3A, %mul3A_12 : vector<8192x1xf32>
    %get3A_14 = arith.constant 0 : index
    %get3A_15 = arith.constant 0 : index
    %get3A_16 = vector.load %arg4[%get3A_14, %get3A_15] : memref<16x128xf32, #tpu.memory_space<vmem>>, vector<16x128xf32>
    %slice3A_17 = vector.extract_strided_slice %get3A_16 {offsets = [0, 0], sizes = [1, 128], strides = [1, 1]} : vector<16x128xf32> to vector<1x128xf32>
    %slice3A_18 = vector.extract_strided_slice %get3A_16 {offsets = [1, 0], sizes = [1, 128], strides = [1, 1]} : vector<16x128xf32> to vector<1x128xf32>
    %slice3A_19 = vector.extract_strided_slice %get3A_16 {offsets = [2, 0], sizes = [1, 128], strides = [1, 1]} : vector<16x128xf32> to vector<1x128xf32>
    %mul3A_20 = arith.mulf %slice3A_17, %slice3A_17 : vector<1x128xf32>
    %mul3A_21 = arith.mulf %slice3A_18, %slice3A_18 : vector<1x128xf32>
    %add3A_22 = arith.addf %mul3A_20, %mul3A_21 : vector<1x128xf32>
    %mul3A_23 = arith.mulf %slice3A_19, %slice3A_19 : vector<1x128xf32>
    %add3A_24 = arith.addf %add3A_22, %mul3A_23 : vector<1x128xf32>
    %add3A_25 = vector.broadcast %add3A_13 : vector<8192x1xf32> to vector<8192x128xf32>
    %add3A_26 = vector.broadcast %add3A_24 : vector<1x128xf32> to vector<8192x128xf32>
    %add3A_27 = arith.addf %add3A_25, %add3A_26 : vector<8192x128xf32>
    %mul3A_28 = arith.constant 2.000000e+00 : f32
    %mul3A_29 = vector.broadcast %mul3A_28 : f32 to vector<8192x128xf32>
    %mul3A_30 = arith.mulf %mul3A_29, %dot_general3A_5 : vector<8192x128xf32>
    %sub3A = arith.subf %add3A_27, %mul3A_30 : vector<8192x128xf32>
    %swap3A = arith.constant 0 : index
    %swap3A_31 = arith.constant 0 : index
    %swap3A_32 = vector.load %arg6[%swap3A, %swap3A_31] : memref<8192x128xf32, #tpu.memory_space<vmem>>, vector<8192x128xf32>
    tpu.vector_store %arg6[%swap3A, %swap3A_31], %sub3A {strides = array<i32>} : memref<8192x128xf32, #tpu.memory_space<vmem>>, vector<8192x128xf32>,
    %iota3A = tpu.iota {dimensions = array<i32: 0>} : vector<8192x128xi32>
    %broadcast_in_dim3A = arith.constant -1 : i32
    %broadcast_in_dim3A_33 = vector.broadcast %broadcast_in_dim3A : i32 to vector<1x128xi32>
    %scan3A = arith.constant 0 : i32
    %scan3A_34 = arith.constant 16 : i32
    %scan3A_35 = arith.addi %scan3A, %scan3A_34 : i32
    %scan3A_36 = arith.constant 1 : i32
    %scan3A_37 = scf.for %scan3A_39 = %scan3A to %scan3A_35 step %scan3A_36 iter_args(%scan3A_40 = %broadcast_in_dim3A_33) -> (vector<1x128xi32>)  : i32 {
      %eq3A = vector.broadcast %scan3A_40 : vector<1x128xi32> to vector<8192x128xi32>
      %eq3A_41 = arith.cmpi eq, %iota3A, %eq3A : vector<8192x128xi32>
      %get3A_42 = arith.constant 0 : index
      %get3A_43 = arith.constant 0 : index
      %get3A_44 = vector.load %arg6[%get3A_42, %get3A_43] : memref<8192x128xf32, #tpu.memory_space<vmem>>, vector<8192x128xf32>
      %jit3A = arith.constant 3.000000e+38 : f32
      %broadcast_in_dim3A_45 = vector.broadcast %jit3A : f32 to vector<8192x128xf32>
      %select_n3A = arith.select %eq3A_41, %broadcast_in_dim3A_45, %get3A_44 : vector<8192x128xi1>, vector<8192x128xf32>
      %swap3A_46 = arith.constant 0 : index
      %swap3A_47 = arith.constant 0 : index
      %swap3A_48 = vector.load %arg6[%swap3A_46, %swap3A_47] : memref<8192x128xf32, #tpu.memory_space<vmem>>, vector<8192x128xf32>
      tpu.vector_store %arg6[%swap3A_46, %swap3A_47], %select_n3A {strides = array<i32>} : memref<8192x128xf32, #tpu.memory_space<vmem>>, vector<8192x128xf32>,
      %argmin3A = tpu.reduce_index %select_n3A {axis = 0 : i32, kind = #tpu.reduction_kind<arg_min>} : vector<8192x128xf32> -> vector<128xi32>
      %reshape3A = vector.shape_cast %argmin3A : vector<128xi32> to vector<1x128xi32>
      %swap3A_49 = arith.index_cast %scan3A_39 : i32 to index
      %swap3A_50 = arith.constant 0 : index
      %swap3A_51 = vector.load %arg5[%swap3A_49, %swap3A_50] : memref<16x128xi32, #tpu.memory_space<vmem>>, vector<1x128xi32>
      tpu.vector_store %arg5[%swap3A_49, %swap3A_50], %reshape3A {strides = array<i32>} : memref<16x128xi32, #tpu.memory_space<vmem>>, vector<1x128xi32>,
      scf.yield %reshape3A : vector<1x128xi32>
    }
    %scan3A_38 = arith.constant 16 : i32
    return
  }
  func.func @transform_0(%arg0: i32) -> (i32, i32) {
    %c0_i32 = arith.constant 0 : i32
    %c0_i32_0 = arith.constant 0 : i32
    %c0_i32_1 = arith.constant 0 : i32
    return %c0_i32, %c0_i32_0 : i32, i32
  }
  func.func @transform_1(%arg0: i32) -> (i32, i32) {
    %c0_i32 = arith.constant 0 : i32
    %c0_i32_0 = arith.constant 0 : i32
    return %c0_i32, %arg0 : i32, i32
  }
  func.func @transform_2(%arg0: i32) -> (i32, i32) {
    %c0_i32 = arith.constant 0 : i32
    %c0_i32_0 = arith.constant 0 : i32
    %c0_i32_1 = arith.constant 0 : i32
    return %c0_i32, %c0_i32_0 : i32, i32
  }
  func.func @transform_3(%arg0: i32) -> (i32, i32) {
    %c0_i32 = arith.constant 0 : i32
    %c0_i32_0 = arith.constant 0 : i32
    return %c0_i32, %arg0 : i32, i32
  }
  func.func @transform_4(%arg0: i32) -> (i32, i32) {
    %c0_i32 = arith.constant 0 : i32
    %c0_i32_0 = arith.constant 0 : i32
    return %c0_i32, %arg0 : i32, i32
  }
}

module attributes {stable_mosaic.version = 14 : i64} {
  func.func @_xq_body(%arg0: i32, %arg1: memref<512x256xf32, #tpu.memory_space<vmem>>, %arg2: memref<256x256xf32, #tpu.memory_space<vmem>>, %arg3: memref<1x256xf32, #tpu.memory_space<vmem>>, %arg4: memref<512x256xf32, #tpu.memory_space<vmem>>) attributes {dimension_semantics = [#tpu.dimension_semantics<arbitrary>], iteration_bounds = array<i64: 16>, scalar_prefetch = 0 : i64, scratch_operands = 0 : i64, tpu.core_type = #tpu.core_type<tc>, window_params = [{transform_indices = @transform_0, window_bounds = array<i64: 512, 256>}, {pipeline_mode = #tpu.pipeline_mode<synchronous>, transform_indices = @transform_1, window_bounds = array<i64: 256, 256>}, {pipeline_mode = #tpu.pipeline_mode<synchronous>, transform_indices = @transform_2, window_bounds = array<i64: 1, 256>}, {transform_indices = @transform_3, window_bounds = array<i64: 512, 256>}]} {
    %get3A = arith.constant 0 : index
    %get3A_0 = arith.constant 0 : index
    %get3A_1 = vector.load %arg1[%get3A, %get3A_0] : memref<512x256xf32, #tpu.memory_space<vmem>>, vector<512x256xf32>
    %get3A_2 = arith.constant 0 : index
    %get3A_3 = arith.constant 0 : index
    %get3A_4 = vector.load %arg2[%get3A_2, %get3A_3] : memref<256x256xf32, #tpu.memory_space<vmem>>, vector<256x256xf32>
    %convert_element_type3A = arith.truncf %get3A_1 : vector<512x256xf32> to vector<512x256xbf16>
    %convert_element_type3A_5 = arith.truncf %get3A_4 : vector<256x256xf32> to vector<256x256xbf16>
    %dot_general3A = arith.constant dense<0.000000e+00> : vector<512x256xf32>
    %dot_general3A_6 = tpu.matmul %convert_element_type3A, %convert_element_type3A_5, %dot_general3A {dimension_numbers = #tpu.dot_dimension_numbers<[1], [0], [0], [1], [0, 0, 1, 1], [], []>, transpose_lhs_hint = false} : vector<512x256xbf16>, vector<256x256xbf16>, vector<512x256xf32> -> vector<512x256xf32>
    %get3A_7 = arith.constant 0 : index
    %get3A_8 = arith.constant 0 : index
    %get3A_9 = vector.load %arg3[%get3A_7, %get3A_8] : memref<1x256xf32, #tpu.memory_space<vmem>>, vector<1x256xf32>
    %add3A = vector.broadcast %get3A_9 : vector<1x256xf32> to vector<512x256xf32>
    %add3A_10 = arith.addf %dot_general3A_6, %add3A : vector<512x256xf32>
    %swap3A = arith.constant 0 : index
    %swap3A_11 = arith.constant 0 : index
    %swap3A_12 = vector.load %arg4[%swap3A, %swap3A_11] : memref<512x256xf32, #tpu.memory_space<vmem>>, vector<512x256xf32>
    tpu.vector_store %arg4[%swap3A, %swap3A_11], %add3A_10 {strides = array<i32>} : memref<512x256xf32, #tpu.memory_space<vmem>>, vector<512x256xf32>,
    return
  }
  func.func @transform_0(%arg0: i32) -> (i32, i32) {
    %c0_i32 = arith.constant 0 : i32
    %c0_i32_0 = arith.constant 0 : i32
    return %arg0, %c0_i32 : i32, i32
  }
  func.func @transform_1(%arg0: i32) -> (i32, i32) {
    %c0_i32 = arith.constant 0 : i32
    %c0_i32_0 = arith.constant 0 : i32
    %c0_i32_1 = arith.constant 0 : i32
    return %c0_i32, %c0_i32_0 : i32, i32
  }
  func.func @transform_2(%arg0: i32) -> (i32, i32) {
    %c0_i32 = arith.constant 0 : i32
    %c0_i32_0 = arith.constant 0 : i32
    %c0_i32_1 = arith.constant 0 : i32
    return %c0_i32, %c0_i32_0 : i32, i32
  }
  func.func @transform_3(%arg0: i32) -> (i32, i32) {
    %c0_i32 = arith.constant 0 : i32
    %c0_i32_0 = arith.constant 0 : i32
    return %arg0, %c0_i32 : i32, i32
  }
}

module attributes {stable_mosaic.version = 14 : i64} {
  func.func @_stats1_body(%arg0: i32, %arg1: memref<2048x128xf32, #tpu.memory_space<vmem>>, %arg2: memref<128x16xf32, #tpu.memory_space<vmem>>, %arg3: memref<16x16xf32, #tpu.memory_space<vmem>>, %arg4: memref<2048x16xf32, #tpu.memory_space<vmem>>, %arg5: memref<8x16xf32, #tpu.memory_space<vmem>>) attributes {dimension_semantics = [#tpu.dimension_semantics<arbitrary>], iteration_bounds = array<i64: 64>, scalar_prefetch = 0 : i64, scratch_operands = 0 : i64, tpu.core_type = #tpu.core_type<tc>, window_params = [{transform_indices = @transform_0, window_bounds = array<i64: 2048, 128>}, {transform_indices = @transform_1, window_bounds = array<i64: 128, 16>}, {pipeline_mode = #tpu.pipeline_mode<synchronous>, transform_indices = @transform_2, window_bounds = array<i64: 16, 16>}, {transform_indices = @transform_3, window_bounds = array<i64: 2048, 16>}, {pipeline_mode = #tpu.pipeline_mode<synchronous>, transform_indices = @transform_4, window_bounds = array<i64: 8, 16>}]} {
    %get3A = arith.constant 0 : index
    %get3A_0 = arith.constant 0 : index
    %get3A_1 = vector.load %arg1[%get3A, %get3A_0] : memref<2048x128xf32, #tpu.memory_space<vmem>>, vector<2048x128xf32>
    %slice3A = vector.extract_strided_slice %get3A_1 {offsets = [0, 0], sizes = [2048, 16], strides = [1, 1]} : vector<2048x128xf32> to vector<2048x16xf32>
    %reshape3A = vector.shape_cast %slice3A : vector<2048x16xf32> to vector<128x16x16xf32>
    %get3A_2 = arith.constant 0 : index
    %get3A_3 = arith.constant 0 : index
    %get3A_4 = vector.load %arg2[%get3A_2, %get3A_3] : memref<128x16xf32, #tpu.memory_space<vmem>>, vector<128x16xf32>
    %broadcast_in_dim3A = vector.shape_cast %get3A_4 : vector<128x16xf32> to vector<128x1x16xf32>
    %sub3A = vector.broadcast %broadcast_in_dim3A : vector<128x1x16xf32> to vector<128x16x16xf32>
    %sub3A_5 = arith.subf %reshape3A, %sub3A : vector<128x16x16xf32>
    %reshape3A_6 = vector.shape_cast %sub3A_5 : vector<128x16x16xf32> to vector<2048x16xf32>
    %get3A_7 = arith.constant 0 : index
    %get3A_8 = arith.constant 0 : index
    %get3A_9 = vector.load %arg3[%get3A_7, %get3A_8] : memref<16x16xf32, #tpu.memory_space<vmem>>, vector<16x16xf32>
    %dot_general3A = arith.constant dense<0.000000e+00> : vector<2048x16xf32>
    %dot_general3A_10 = tpu.matmul %reshape3A_6, %get3A_9, %dot_general3A {dimension_numbers = #tpu.dot_dimension_numbers<[1], [0], [0], [1], [0, 0, 1, 1], [], []>, precision = #tpu.contract_precision<fp32>, transpose_lhs_hint = false} : vector<2048x16xf32>, vector<16x16xf32>, vector<2048x16xf32> -> vector<2048x16xf32>
    %swap3A = arith.constant 0 : index
    %swap3A_11 = arith.constant 0 : index
    %swap3A_12 = vector.load %arg4[%swap3A, %swap3A_11] : memref<2048x16xf32, #tpu.memory_space<vmem>>, vector<2048x16xf32>
    tpu.vector_store %arg4[%swap3A, %swap3A_11], %dot_general3A_10 {strides = array<i32>} : memref<2048x16xf32, #tpu.memory_space<vmem>>, vector<2048x16xf32>,
    %reduce_sum3A = arith.constant dense<0.000000e+00> : vector<16xf32>
    %reduce_sum3A_13 = vector.multi_reduction <add>, %dot_general3A_10, %reduce_sum3A [0] : vector<2048x16xf32> to vector<16xf32>
    %broadcast_in_dim3A_14 = vector.shape_cast %reduce_sum3A_13 : vector<16xf32> to vector<1x16xf32>
    %mul3A = arith.mulf %dot_general3A_10, %dot_general3A_10 : vector<2048x16xf32>
    %reduce_sum3A_15 = arith.constant dense<0.000000e+00> : vector<16xf32>
    %reduce_sum3A_16 = vector.multi_reduction <add>, %mul3A, %reduce_sum3A_15 [0] : vector<2048x16xf32> to vector<16xf32>
    %broadcast_in_dim3A_17 = vector.shape_cast %reduce_sum3A_16 : vector<16xf32> to vector<1x16xf32>
    %broadcast_in_dim3A_18 = arith.constant 0.000000e+00 : f32
    %broadcast_in_dim3A_19 = vector.broadcast %broadcast_in_dim3A_18 : f32 to vector<6x16xf32>
    %concatenate3A = tpu.concatenate %broadcast_in_dim3A_14, %broadcast_in_dim3A_17, %broadcast_in_dim3A_19 in 0 : vector<1x16xf32>, vector<1x16xf32>, vector<6x16xf32> -> vector<8x16xf32>
    %eq3A = arith.constant 0 : i32
    %eq3A_20 = arith.cmpi eq, %arg0, %eq3A : i32
    %convert_element_type3A = arith.extui %eq3A_20 : i1 to i32
    %cond3A = arith.constant 0 : i32
    %cond3A_21 = arith.cmpi ne, %convert_element_type3A, %cond3A : i32
    scf.if %cond3A_21 {
      %broadcast_in_dim3A_28 = arith.constant 0.000000e+00 : f32
      %broadcast_in_dim3A_29 = vector.broadcast %broadcast_in_dim3A_28 : f32 to vector<8x16xf32>
      %swap3A_30 = arith.constant 0 : index
      %swap3A_31 = arith.constant 0 : index
      %swap3A_32 = vector.load %arg5[%swap3A_30, %swap3A_31] : memref<8x16xf32, #tpu.memory_space<vmem>>, vector<8x16xf32>
      tpu.vector_store %arg5[%swap3A_30, %swap3A_31], %broadcast_in_dim3A_29 {strides = array<i32>} : memref<8x16xf32, #tpu.memory_space<vmem>>, vector<8x16xf32>,
    } else {
    }
    %get3A_22 = arith.constant 0 : index
    %get3A_23 = arith.constant 0 : index
    %get3A_24 = vector.load %arg5[%get3A_22, %get3A_23] : memref<8x16xf32, #tpu.memory_space<vmem>>, vector<8x16xf32>
    %add3A = arith.addf %get3A_24, %concatenate3A : vector<8x16xf32>
    %swap3A_25 = arith.constant 0 : index
    %swap3A_26 = arith.constant 0 : index
    %swap3A_27 = vector.load %arg5[%swap3A_25, %swap3A_26] : memref<8x16xf32, #tpu.memory_space<vmem>>, vector<8x16xf32>
    tpu.vector_store %arg5[%swap3A_25, %swap3A_26], %add3A {strides = array<i32>} : memref<8x16xf32, #tpu.memory_space<vmem>>, vector<8x16xf32>,
    return
  }
  func.func @transform_0(%arg0: i32) -> (i32, i32) {
    %c2_i32 = arith.constant 2 : i32
    %c0_i32 = arith.constant 0 : i32
    return %arg0, %c2_i32 : i32, i32
  }
  func.func @transform_1(%arg0: i32) -> (i32, i32) {
    %c0_i32 = arith.constant 0 : i32
    %c0_i32_0 = arith.constant 0 : i32
    return %arg0, %c0_i32 : i32, i32
  }
  func.func @transform_2(%arg0: i32) -> (i32, i32) {
    %c0_i32 = arith.constant 0 : i32
    %c0_i32_0 = arith.constant 0 : i32
    %c0_i32_1 = arith.constant 0 : i32
    return %c0_i32, %c0_i32_0 : i32, i32
  }
  func.func @transform_3(%arg0: i32) -> (i32, i32) {
    %c0_i32 = arith.constant 0 : i32
    %c0_i32_0 = arith.constant 0 : i32
    return %arg0, %c0_i32 : i32, i32
  }
  func.func @transform_4(%arg0: i32) -> (i32, i32) {
    %c0_i32 = arith.constant 0 : i32
    %c0_i32_0 = arith.constant 0 : i32
    %c0_i32_1 = arith.constant 0 : i32
    return %c0_i32, %c0_i32_0 : i32, i32
  }
}

module attributes {stable_mosaic.version = 14 : i64} {
  func.func @_alpha_body(%arg0: i32, %arg1: memref<2048x256xf32, #tpu.memory_space<vmem>>, %arg2: memref<2048x16xf32, #tpu.memory_space<vmem>>, %arg3: memref<128x256xf32, #tpu.memory_space<vmem>>, %arg4: memref<256x256xf32, #tpu.memory_space<vmem>>, %arg5: memref<1x256xf32, #tpu.memory_space<vmem>>, %arg6: memref<1x16xf32, #tpu.memory_space<vmem>>, %arg7: memref<1x16xf32, #tpu.memory_space<vmem>>, %arg8: memref<16x256xf32, #tpu.memory_space<vmem>>, %arg9: memref<1x256xf32, #tpu.memory_space<vmem>>, %arg10: memref<8x256xf32, #tpu.memory_space<vmem>>) attributes {dimension_semantics = [#tpu.dimension_semantics<arbitrary>], iteration_bounds = array<i64: 64>, scalar_prefetch = 0 : i64, scratch_operands = 0 : i64, tpu.core_type = #tpu.core_type<tc>, window_params = [{transform_indices = @transform_0, window_bounds = array<i64: 2048, 256>}, {transform_indices = @transform_1, window_bounds = array<i64: 2048, 16>}, {transform_indices = @transform_2, window_bounds = array<i64: 128, 256>}, {pipeline_mode = #tpu.pipeline_mode<synchronous>, transform_indices = @transform_3, window_bounds = array<i64: 256, 256>}, {pipeline_mode = #tpu.pipeline_mode<synchronous>, transform_indices = @transform_4, window_bounds = array<i64: 1, 256>}, {pipeline_mode = #tpu.pipeline_mode<synchronous>, transform_indices = @transform_5, window_bounds = array<i64: 1, 16>}, {pipeline_mode = #tpu.pipeline_mode<synchronous>, transform_indices = @transform_6, window_bounds = array<i64: 1, 16>}, {pipeline_mode = #tpu.pipeline_mode<synchronous>, transform_indices = @transform_7, window_bounds = array<i64: 16, 256>}, {pipeline_mode = #tpu.pipeline_mode<synchronous>, transform_indices = @transform_8, window_bounds = array<i64: 1, 256>}, {pipeline_mode = #tpu.pipeline_mode<synchronous>, transform_indices = @transform_9, window_bounds = array<i64: 8, 256>}]} {
    %get3A = arith.constant 0 : index
    %get3A_0 = arith.constant 0 : index
    %get3A_1 = vector.load %arg1[%get3A, %get3A_0] : memref<2048x256xf32, #tpu.memory_space<vmem>>, vector<2048x256xf32>
    %get3A_2 = arith.constant 0 : index
    %get3A_3 = arith.constant 0 : index
    %get3A_4 = vector.load %arg4[%get3A_2, %get3A_3] : memref<256x256xf32, #tpu.memory_space<vmem>>, vector<256x256xf32>
    %convert_element_type3A = arith.truncf %get3A_1 : vector<2048x256xf32> to vector<2048x256xbf16>
    %convert_element_type3A_5 = arith.truncf %get3A_4 : vector<256x256xf32> to vector<256x256xbf16>
    %dot_general3A = arith.constant dense<0.000000e+00> : vector<2048x256xf32>
    %dot_general3A_6 = tpu.matmul %convert_element_type3A, %convert_element_type3A_5, %dot_general3A {dimension_numbers = #tpu.dot_dimension_numbers<[1], [0], [0], [1], [0, 0, 1, 1], [], []>, transpose_lhs_hint = false} : vector<2048x256xbf16>, vector<256x256xbf16>, vector<2048x256xf32> -> vector<2048x256xf32>
    %get3A_7 = arith.constant 0 : index
    %get3A_8 = arith.constant 0 : index
    %get3A_9 = vector.load %arg5[%get3A_7, %get3A_8] : memref<1x256xf32, #tpu.memory_space<vmem>>, vector<1x256xf32>
    %add3A = vector.broadcast %get3A_9 : vector<1x256xf32> to vector<2048x256xf32>
    %add3A_10 = arith.addf %dot_general3A_6, %add3A : vector<2048x256xf32>
    %get3A_11 = arith.constant 0 : index
    %get3A_12 = arith.constant 0 : index
    %get3A_13 = vector.load %arg2[%get3A_11, %get3A_12] : memref<2048x16xf32, #tpu.memory_space<vmem>>, vector<2048x16xf32>
    %get3A_14 = arith.constant 0 : index
    %get3A_15 = arith.constant 0 : index
    %get3A_16 = vector.load %arg6[%get3A_14, %get3A_15] : memref<1x16xf32, #tpu.memory_space<vmem>>, vector<1x16xf32>
    %mul3A = vector.broadcast %get3A_16 : vector<1x16xf32> to vector<2048x16xf32>
    %mul3A_17 = arith.mulf %get3A_13, %mul3A : vector<2048x16xf32>
    %get3A_18 = arith.constant 0 : index
    %get3A_19 = arith.constant 0 : index
    %get3A_20 = vector.load %arg7[%get3A_18, %get3A_19] : memref<1x16xf32, #tpu.memory_space<vmem>>, vector<1x16xf32>
    %add3A_21 = vector.broadcast %get3A_20 : vector<1x16xf32> to vector<2048x16xf32>
    %add3A_22 = arith.addf %mul3A_17, %add3A_21 : vector<2048x16xf32>
    %max3A = arith.constant 0.000000e+00 : f32
    %max3A_23 = vector.broadcast %max3A : f32 to vector<2048x16xf32>
    %max3A_24 = arith.maximumf %add3A_22, %max3A_23 : vector<2048x16xf32>
    %get3A_25 = arith.constant 0 : index
    %get3A_26 = arith.constant 0 : index
    %get3A_27 = vector.load %arg8[%get3A_25, %get3A_26] : memref<16x256xf32, #tpu.memory_space<vmem>>, vector<16x256xf32>
    %convert_element_type3A_28 = arith.truncf %max3A_24 : vector<2048x16xf32> to vector<2048x16xbf16>
    %convert_element_type3A_29 = arith.truncf %get3A_27 : vector<16x256xf32> to vector<16x256xbf16>
    %dot_general3A_30 = arith.constant dense<0.000000e+00> : vector<2048x256xf32>
    %dot_general3A_31 = tpu.matmul %convert_element_type3A_28, %convert_element_type3A_29, %dot_general3A_30 {dimension_numbers = #tpu.dot_dimension_numbers<[1], [0], [0], [1], [0, 0, 1, 1], [], []>, transpose_lhs_hint = false} : vector<2048x16xbf16>, vector<16x256xbf16>, vector<2048x256xf32> -> vector<2048x256xf32>
    %get3A_32 = arith.constant 0 : index
    %get3A_33 = arith.constant 0 : index
    %get3A_34 = vector.load %arg9[%get3A_32, %get3A_33] : memref<1x256xf32, #tpu.memory_space<vmem>>, vector<1x256xf32>
    %add3A_35 = vector.broadcast %get3A_34 : vector<1x256xf32> to vector<2048x256xf32>
    %add3A_36 = arith.addf %dot_general3A_31, %add3A_35 : vector<2048x256xf32>
    %reshape3A = vector.shape_cast %add3A_10 : vector<2048x256xf32> to vector<128x16x256xf32>
    %get3A_37 = arith.constant 0 : index
    %get3A_38 = arith.constant 0 : index
    %get3A_39 = vector.load %arg3[%get3A_37, %get3A_38] : memref<128x256xf32, #tpu.memory_space<vmem>>, vector<128x256xf32>
    %broadcast_in_dim3A = vector.shape_cast %get3A_39 : vector<128x256xf32> to vector<128x1x256xf32>
    %sub3A = vector.broadcast %broadcast_in_dim3A : vector<128x1x256xf32> to vector<128x16x256xf32>
    %sub3A_40 = arith.subf %reshape3A, %sub3A : vector<128x16x256xf32>
    %reshape3A_41 = vector.shape_cast %add3A_36 : vector<2048x256xf32> to vector<128x16x256xf32>
    %add3A_42 = arith.addf %sub3A_40, %reshape3A_41 : vector<128x16x256xf32>
    %reshape3A_43 = vector.shape_cast %add3A_42 : vector<128x16x256xf32> to vector<2048x256xf32>
    %reduce_sum3A = arith.constant dense<0.000000e+00> : vector<256xf32>
    %reduce_sum3A_44 = vector.multi_reduction <add>, %reshape3A_43, %reduce_sum3A [0] : vector<2048x256xf32> to vector<256xf32>
    %broadcast_in_dim3A_45 = vector.shape_cast %reduce_sum3A_44 : vector<256xf32> to vector<1x256xf32>
    %mul3A_46 = arith.mulf %reshape3A_43, %reshape3A_43 : vector<2048x256xf32>
    %reduce_sum3A_47 = arith.constant dense<0.000000e+00> : vector<256xf32>
    %reduce_sum3A_48 = vector.multi_reduction <add>, %mul3A_46, %reduce_sum3A_47 [0] : vector<2048x256xf32> to vector<256xf32>
    %broadcast_in_dim3A_49 = vector.shape_cast %reduce_sum3A_48 : vector<256xf32> to vector<1x256xf32>
    %broadcast_in_dim3A_50 = arith.constant 0.000000e+00 : f32
    %broadcast_in_dim3A_51 = vector.broadcast %broadcast_in_dim3A_50 : f32 to vector<6x256xf32>
    %concatenate3A = tpu.concatenate %broadcast_in_dim3A_45, %broadcast_in_dim3A_49, %broadcast_in_dim3A_51 in 0 : vector<1x256xf32>, vector<1x256xf32>, vector<6x256xf32> -> vector<8x256xf32>
    %eq3A = arith.constant 0 : i32
    %eq3A_52 = arith.cmpi eq, %arg0, %eq3A : i32
    %convert_element_type3A_53 = arith.extui %eq3A_52 : i1 to i32
    %cond3A = arith.constant 0 : i32
    %cond3A_54 = arith.cmpi ne, %convert_element_type3A_53, %cond3A : i32
    scf.if %cond3A_54 {
      %broadcast_in_dim3A_61 = arith.constant 0.000000e+00 : f32
      %broadcast_in_dim3A_62 = vector.broadcast %broadcast_in_dim3A_61 : f32 to vector<8x256xf32>
      %swap3A_63 = arith.constant 0 : index
      %swap3A_64 = arith.constant 0 : index
      %swap3A_65 = vector.load %arg10[%swap3A_63, %swap3A_64] : memref<8x256xf32, #tpu.memory_space<vmem>>, vector<8x256xf32>
      tpu.vector_store %arg10[%swap3A_63, %swap3A_64], %broadcast_in_dim3A_62 {strides = array<i32>} : memref<8x256xf32, #tpu.memory_space<vmem>>, vector<8x256xf32>,
    } else {
    }
    %get3A_55 = arith.constant 0 : index
    %get3A_56 = arith.constant 0 : index
    %get3A_57 = vector.load %arg10[%get3A_55, %get3A_56] : memref<8x256xf32, #tpu.memory_space<vmem>>, vector<8x256xf32>
    %add3A_58 = arith.addf %get3A_57, %concatenate3A : vector<8x256xf32>
    %swap3A = arith.constant 0 : index
    %swap3A_59 = arith.constant 0 : index
    %swap3A_60 = vector.load %arg10[%swap3A, %swap3A_59] : memref<8x256xf32, #tpu.memory_space<vmem>>, vector<8x256xf32>
    tpu.vector_store %arg10[%swap3A, %swap3A_59], %add3A_58 {strides = array<i32>} : memref<8x256xf32, #tpu.memory_space<vmem>>, vector<8x256xf32>,
    return
  }
  func.func @transform_0(%arg0: i32) -> (i32, i32) {
    %c0_i32 = arith.constant 0 : i32
    %c0_i32_0 = arith.constant 0 : i32
    return %arg0, %c0_i32 : i32, i32
  }
  func.func @transform_1(%arg0: i32) -> (i32, i32) {
    %c0_i32 = arith.constant 0 : i32
    %c0_i32_0 = arith.constant 0 : i32
    return %arg0, %c0_i32 : i32, i32
  }
  func.func @transform_2(%arg0: i32) -> (i32, i32) {
    %c0_i32 = arith.constant 0 : i32
    %c0_i32_0 = arith.constant 0 : i32
    return %arg0, %c0_i32 : i32, i32
  }
  func.func @transform_3(%arg0: i32) -> (i32, i32) {
    %c0_i32 = arith.constant 0 : i32
    %c0_i32_0 = arith.constant 0 : i32
    %c0_i32_1 = arith.constant 0 : i32
    return %c0_i32, %c0_i32_0 : i32, i32
  }
  func.func @transform_4(%arg0: i32) -> (i32, i32) {
    %c0_i32 = arith.constant 0 : i32
    %c0_i32_0 = arith.constant 0 : i32
    %c0_i32_1 = arith.constant 0 : i32
    return %c0_i32, %c0_i32_0 : i32, i32
  }
  func.func @transform_5(%arg0: i32) -> (i32, i32) {
    %c0_i32 = arith.constant 0 : i32
    %c0_i32_0 = arith.constant 0 : i32
    %c0_i32_1 = arith.constant 0 : i32
    return %c0_i32, %c0_i32_0 : i32, i32
  }
  func.func @transform_6(%arg0: i32) -> (i32, i32) {
    %c0_i32 = arith.constant 0 : i32
    %c0_i32_0 = arith.constant 0 : i32
    %c0_i32_1 = arith.constant 0 : i32
    return %c0_i32, %c0_i32_0 : i32, i32
  }
  func.func @transform_7(%arg0: i32) -> (i32, i32) {
    %c0_i32 = arith.constant 0 : i32
    %c0_i32_0 = arith.constant 0 : i32
    %c0_i32_1 = arith.constant 0 : i32
    return %c0_i32, %c0_i32_0 : i32, i32
  }
  func.func @transform_8(%arg0: i32) -> (i32, i32) {
    %c0_i32 = arith.constant 0 : i32
    %c0_i32_0 = arith.constant 0 : i32
    %c0_i32_1 = arith.constant 0 : i32
    return %c0_i32, %c0_i32_0 : i32, i32
  }
  func.func @transform_9(%arg0: i32) -> (i32, i32) {
    %c0_i32 = arith.constant 0 : i32
    %c0_i32_0 = arith.constant 0 : i32
    %c0_i32_1 = arith.constant 0 : i32
    return %c0_i32, %c0_i32_0 : i32, i32
  }
}

module attributes {stable_mosaic.version = 14 : i64} {
  func.func @_beta_body(%arg0: i32, %arg1: memref<2048x256xf32, #tpu.memory_space<vmem>>, %arg2: memref<2048x16xf32, #tpu.memory_space<vmem>>, %arg3: memref<128x256xf32, #tpu.memory_space<vmem>>, %arg4: memref<256x256xf32, #tpu.memory_space<vmem>>, %arg5: memref<1x256xf32, #tpu.memory_space<vmem>>, %arg6: memref<1x16xf32, #tpu.memory_space<vmem>>, %arg7: memref<1x16xf32, #tpu.memory_space<vmem>>, %arg8: memref<16x256xf32, #tpu.memory_space<vmem>>, %arg9: memref<1x256xf32, #tpu.memory_space<vmem>>, %arg10: memref<1x256xf32, #tpu.memory_space<vmem>>, %arg11: memref<1x256xf32, #tpu.memory_space<vmem>>, %arg12: memref<256x32xf32, #tpu.memory_space<vmem>>, %arg13: memref<1x32xf32, #tpu.memory_space<vmem>>, %arg14: memref<2048x32xf32, #tpu.memory_space<vmem>>, %arg15: memref<8x32xf32, #tpu.memory_space<vmem>>) attributes {dimension_semantics = [#tpu.dimension_semantics<arbitrary>], iteration_bounds = array<i64: 64>, scalar_prefetch = 0 : i64, scratch_operands = 0 : i64, tpu.core_type = #tpu.core_type<tc>, window_params = [{transform_indices = @transform_0, window_bounds = array<i64: 2048, 256>}, {transform_indices = @transform_1, window_bounds = array<i64: 2048, 16>}, {transform_indices = @transform_2, window_bounds = array<i64: 128, 256>}, {pipeline_mode = #tpu.pipeline_mode<synchronous>, transform_indices = @transform_3, window_bounds = array<i64: 256, 256>}, {pipeline_mode = #tpu.pipeline_mode<synchronous>, transform_indices = @transform_4, window_bounds = array<i64: 1, 256>}, {pipeline_mode = #tpu.pipeline_mode<synchronous>, transform_indices = @transform_5, window_bounds = array<i64: 1, 16>}, {pipeline_mode = #tpu.pipeline_mode<synchronous>, transform_indices = @transform_6, window_bounds = array<i64: 1, 16>}, {pipeline_mode = #tpu.pipeline_mode<synchronous>, transform_indices = @transform_7, window_bounds = array<i64: 16, 256>}, {pipeline_mode = #tpu.pipeline_mode<synchronous>, transform_indices = @transform_8, window_bounds = array<i64: 1, 256>}, {pipeline_mode = #tpu.pipeline_mode<synchronous>, transform_indices = @transform_9, window_bounds = array<i64: 1, 256>}, {pipeline_mode = #tpu.pipeline_mode<synchronous>, transform_indices = @transform_10, window_bounds = array<i64: 1, 256>}, {pipeline_mode = #tpu.pipeline_mode<synchronous>, transform_indices = @transform_11, window_bounds = array<i64: 256, 32>}, {pipeline_mode = #tpu.pipeline_mode<synchronous>, transform_indices = @transform_12, window_bounds = array<i64: 1, 32>}, {transform_indices = @transform_13, window_bounds = array<i64: 2048, 32>}, {pipeline_mode = #tpu.pipeline_mode<synchronous>, transform_indices = @transform_14, window_bounds = array<i64: 8, 32>}]} {
    %get3A = arith.constant 0 : index
    %get3A_0 = arith.constant 0 : index
    %get3A_1 = vector.load %arg1[%get3A, %get3A_0] : memref<2048x256xf32, #tpu.memory_space<vmem>>, vector<2048x256xf32>
    %get3A_2 = arith.constant 0 : index
    %get3A_3 = arith.constant 0 : index
    %get3A_4 = vector.load %arg4[%get3A_2, %get3A_3] : memref<256x256xf32, #tpu.memory_space<vmem>>, vector<256x256xf32>
    %convert_element_type3A = arith.truncf %get3A_1 : vector<2048x256xf32> to vector<2048x256xbf16>
    %convert_element_type3A_5 = arith.truncf %get3A_4 : vector<256x256xf32> to vector<256x256xbf16>
    %dot_general3A = arith.constant dense<0.000000e+00> : vector<2048x256xf32>
    %dot_general3A_6 = tpu.matmul %convert_element_type3A, %convert_element_type3A_5, %dot_general3A {dimension_numbers = #tpu.dot_dimension_numbers<[1], [0], [0], [1], [0, 0, 1, 1], [], []>, transpose_lhs_hint = false} : vector<2048x256xbf16>, vector<256x256xbf16>, vector<2048x256xf32> -> vector<2048x256xf32>
    %get3A_7 = arith.constant 0 : index
    %get3A_8 = arith.constant 0 : index
    %get3A_9 = vector.load %arg5[%get3A_7, %get3A_8] : memref<1x256xf32, #tpu.memory_space<vmem>>, vector<1x256xf32>
    %add3A = vector.broadcast %get3A_9 : vector<1x256xf32> to vector<2048x256xf32>
    %add3A_10 = arith.addf %dot_general3A_6, %add3A : vector<2048x256xf32>
    %get3A_11 = arith.constant 0 : index
    %get3A_12 = arith.constant 0 : index
    %get3A_13 = vector.load %arg2[%get3A_11, %get3A_12] : memref<2048x16xf32, #tpu.memory_space<vmem>>, vector<2048x16xf32>
    %get3A_14 = arith.constant 0 : index
    %get3A_15 = arith.constant 0 : index
    %get3A_16 = vector.load %arg6[%get3A_14, %get3A_15] : memref<1x16xf32, #tpu.memory_space<vmem>>, vector<1x16xf32>
    %mul3A = vector.broadcast %get3A_16 : vector<1x16xf32> to vector<2048x16xf32>
    %mul3A_17 = arith.mulf %get3A_13, %mul3A : vector<2048x16xf32>
    %get3A_18 = arith.constant 0 : index
    %get3A_19 = arith.constant 0 : index
    %get3A_20 = vector.load %arg7[%get3A_18, %get3A_19] : memref<1x16xf32, #tpu.memory_space<vmem>>, vector<1x16xf32>
    %add3A_21 = vector.broadcast %get3A_20 : vector<1x16xf32> to vector<2048x16xf32>
    %add3A_22 = arith.addf %mul3A_17, %add3A_21 : vector<2048x16xf32>
    %max3A = arith.constant 0.000000e+00 : f32
    %max3A_23 = vector.broadcast %max3A : f32 to vector<2048x16xf32>
    %max3A_24 = arith.maximumf %add3A_22, %max3A_23 : vector<2048x16xf32>
    %get3A_25 = arith.constant 0 : index
    %get3A_26 = arith.constant 0 : index
    %get3A_27 = vector.load %arg8[%get3A_25, %get3A_26] : memref<16x256xf32, #tpu.memory_space<vmem>>, vector<16x256xf32>
    %convert_element_type3A_28 = arith.truncf %max3A_24 : vector<2048x16xf32> to vector<2048x16xbf16>
    %convert_element_type3A_29 = arith.truncf %get3A_27 : vector<16x256xf32> to vector<16x256xbf16>
    %dot_general3A_30 = arith.constant dense<0.000000e+00> : vector<2048x256xf32>
    %dot_general3A_31 = tpu.matmul %convert_element_type3A_28, %convert_element_type3A_29, %dot_general3A_30 {dimension_numbers = #tpu.dot_dimension_numbers<[1], [0], [0], [1], [0, 0, 1, 1], [], []>, transpose_lhs_hint = false} : vector<2048x16xbf16>, vector<16x256xbf16>, vector<2048x256xf32> -> vector<2048x256xf32>
    %get3A_32 = arith.constant 0 : index
    %get3A_33 = arith.constant 0 : index
    %get3A_34 = vector.load %arg9[%get3A_32, %get3A_33] : memref<1x256xf32, #tpu.memory_space<vmem>>, vector<1x256xf32>
    %add3A_35 = vector.broadcast %get3A_34 : vector<1x256xf32> to vector<2048x256xf32>
    %add3A_36 = arith.addf %dot_general3A_31, %add3A_35 : vector<2048x256xf32>
    %reshape3A = vector.shape_cast %add3A_10 : vector<2048x256xf32> to vector<128x16x256xf32>
    %get3A_37 = arith.constant 0 : index
    %get3A_38 = arith.constant 0 : index
    %get3A_39 = vector.load %arg3[%get3A_37, %get3A_38] : memref<128x256xf32, #tpu.memory_space<vmem>>, vector<128x256xf32>
    %broadcast_in_dim3A = vector.shape_cast %get3A_39 : vector<128x256xf32> to vector<128x1x256xf32>
    %sub3A = vector.broadcast %broadcast_in_dim3A : vector<128x1x256xf32> to vector<128x16x256xf32>
    %sub3A_40 = arith.subf %reshape3A, %sub3A : vector<128x16x256xf32>
    %reshape3A_41 = vector.shape_cast %add3A_36 : vector<2048x256xf32> to vector<128x16x256xf32>
    %add3A_42 = arith.addf %sub3A_40, %reshape3A_41 : vector<128x16x256xf32>
    %reshape3A_43 = vector.shape_cast %add3A_42 : vector<128x16x256xf32> to vector<2048x256xf32>
    %get3A_44 = arith.constant 0 : index
    %get3A_45 = arith.constant 0 : index
    %get3A_46 = vector.load %arg10[%get3A_44, %get3A_45] : memref<1x256xf32, #tpu.memory_space<vmem>>, vector<1x256xf32>
    %mul3A_47 = vector.broadcast %get3A_46 : vector<1x256xf32> to vector<2048x256xf32>
    %mul3A_48 = arith.mulf %reshape3A_43, %mul3A_47 : vector<2048x256xf32>
    %get3A_49 = arith.constant 0 : index
    %get3A_50 = arith.constant 0 : index
    %get3A_51 = vector.load %arg11[%get3A_49, %get3A_50] : memref<1x256xf32, #tpu.memory_space<vmem>>, vector<1x256xf32>
    %add3A_52 = vector.broadcast %get3A_51 : vector<1x256xf32> to vector<2048x256xf32>
    %add3A_53 = arith.addf %mul3A_48, %add3A_52 : vector<2048x256xf32>
    %max3A_54 = arith.constant 0.000000e+00 : f32
    %max3A_55 = vector.broadcast %max3A_54 : f32 to vector<2048x256xf32>
    %max3A_56 = arith.maximumf %add3A_53, %max3A_55 : vector<2048x256xf32>
    %get3A_57 = arith.constant 0 : index
    %get3A_58 = arith.constant 0 : index
    %get3A_59 = vector.load %arg12[%get3A_57, %get3A_58] : memref<256x32xf32, #tpu.memory_space<vmem>>, vector<256x32xf32>
    %convert_element_type3A_60 = arith.truncf %max3A_56 : vector<2048x256xf32> to vector<2048x256xbf16>
    %convert_element_type3A_61 = arith.truncf %get3A_59 : vector<256x32xf32> to vector<256x32xbf16>
    %dot_general3A_62 = arith.constant dense<0.000000e+00> : vector<2048x32xf32>
    %dot_general3A_63 = tpu.matmul %convert_element_type3A_60, %convert_element_type3A_61, %dot_general3A_62 {dimension_numbers = #tpu.dot_dimension_numbers<[1], [0], [0], [1], [0, 0, 1, 1], [], []>, transpose_lhs_hint = false} : vector<2048x256xbf16>, vector<256x32xbf16>, vector<2048x32xf32> -> vector<2048x32xf32>
    %get3A_64 = arith.constant 0 : index
    %get3A_65 = arith.constant 0 : index
    %get3A_66 = vector.load %arg13[%get3A_64, %get3A_65] : memref<1x32xf32, #tpu.memory_space<vmem>>, vector<1x32xf32>
    %add3A_67 = vector.broadcast %get3A_66 : vector<1x32xf32> to vector<2048x32xf32>
    %add3A_68 = arith.addf %dot_general3A_63, %add3A_67 : vector<2048x32xf32>
    %swap3A = arith.constant 0 : index
    %swap3A_69 = arith.constant 0 : index
    %swap3A_70 = vector.load %arg14[%swap3A, %swap3A_69] : memref<2048x32xf32, #tpu.memory_space<vmem>>, vector<2048x32xf32>
    tpu.vector_store %arg14[%swap3A, %swap3A_69], %add3A_68 {strides = array<i32>} : memref<2048x32xf32, #tpu.memory_space<vmem>>, vector<2048x32xf32>,
    %reduce_sum3A = arith.constant dense<0.000000e+00> : vector<32xf32>
    %reduce_sum3A_71 = vector.multi_reduction <add>, %add3A_68, %reduce_sum3A [0] : vector<2048x32xf32> to vector<32xf32>
    %broadcast_in_dim3A_72 = vector.shape_cast %reduce_sum3A_71 : vector<32xf32> to vector<1x32xf32>
    %mul3A_73 = arith.mulf %add3A_68, %add3A_68 : vector<2048x32xf32>
    %reduce_sum3A_74 = arith.constant dense<0.000000e+00> : vector<32xf32>
    %reduce_sum3A_75 = vector.multi_reduction <add>, %mul3A_73, %reduce_sum3A_74 [0] : vector<2048x32xf32> to vector<32xf32>
    %broadcast_in_dim3A_76 = vector.shape_cast %reduce_sum3A_75 : vector<32xf32> to vector<1x32xf32>
    %broadcast_in_dim3A_77 = arith.constant 0.000000e+00 : f32
    %broadcast_in_dim3A_78 = vector.broadcast %broadcast_in_dim3A_77 : f32 to vector<6x32xf32>
    %concatenate3A = tpu.concatenate %broadcast_in_dim3A_72, %broadcast_in_dim3A_76, %broadcast_in_dim3A_78 in 0 : vector<1x32xf32>, vector<1x32xf32>, vector<6x32xf32> -> vector<8x32xf32>
    %eq3A = arith.constant 0 : i32
    %eq3A_79 = arith.cmpi eq, %arg0, %eq3A : i32
    %convert_element_type3A_80 = arith.extui %eq3A_79 : i1 to i32
    %cond3A = arith.constant 0 : i32
    %cond3A_81 = arith.cmpi ne, %convert_element_type3A_80, %cond3A : i32
    scf.if %cond3A_81 {
      %broadcast_in_dim3A_89 = arith.constant 0.000000e+00 : f32
      %broadcast_in_dim3A_90 = vector.broadcast %broadcast_in_dim3A_89 : f32 to vector<8x32xf32>
      %swap3A_91 = arith.constant 0 : index
      %swap3A_92 = arith.constant 0 : index
      %swap3A_93 = vector.load %arg15[%swap3A_91, %swap3A_92] : memref<8x32xf32, #tpu.memory_space<vmem>>, vector<8x32xf32>
      tpu.vector_store %arg15[%swap3A_91, %swap3A_92], %broadcast_in_dim3A_90 {strides = array<i32>} : memref<8x32xf32, #tpu.memory_space<vmem>>, vector<8x32xf32>,
    } else {
    }
    %get3A_82 = arith.constant 0 : index
    %get3A_83 = arith.constant 0 : index
    %get3A_84 = vector.load %arg15[%get3A_82, %get3A_83] : memref<8x32xf32, #tpu.memory_space<vmem>>, vector<8x32xf32>
    %add3A_85 = arith.addf %get3A_84, %concatenate3A : vector<8x32xf32>
    %swap3A_86 = arith.constant 0 : index
    %swap3A_87 = arith.constant 0 : index
    %swap3A_88 = vector.load %arg15[%swap3A_86, %swap3A_87] : memref<8x32xf32, #tpu.memory_space<vmem>>, vector<8x32xf32>
    tpu.vector_store %arg15[%swap3A_86, %swap3A_87], %add3A_85 {strides = array<i32>} : memref<8x32xf32, #tpu.memory_space<vmem>>, vector<8x32xf32>,
    return
  }
  func.func @transform_0(%arg0: i32) -> (i32, i32) {
    %c0_i32 = arith.constant 0 : i32
    %c0_i32_0 = arith.constant 0 : i32
    return %arg0, %c0_i32 : i32, i32
  }
  func.func @transform_1(%arg0: i32) -> (i32, i32) {
    %c0_i32 = arith.constant 0 : i32
    %c0_i32_0 = arith.constant 0 : i32
    return %arg0, %c0_i32 : i32, i32
  }
  func.func @transform_2(%arg0: i32) -> (i32, i32) {
    %c0_i32 = arith.constant 0 : i32
    %c0_i32_0 = arith.constant 0 : i32
    return %arg0, %c0_i32 : i32, i32
  }
  func.func @transform_3(%arg0: i32) -> (i32, i32) {
    %c0_i32 = arith.constant 0 : i32
    %c0_i32_0 = arith.constant 0 : i32
    %c0_i32_1 = arith.constant 0 : i32
    return %c0_i32, %c0_i32_0 : i32, i32
  }
  func.func @transform_4(%arg0: i32) -> (i32, i32) {
    %c0_i32 = arith.constant 0 : i32
    %c0_i32_0 = arith.constant 0 : i32
    %c0_i32_1 = arith.constant 0 : i32
    return %c0_i32, %c0_i32_0 : i32, i32
  }
  func.func @transform_5(%arg0: i32) -> (i32, i32) {
    %c0_i32 = arith.constant 0 : i32
    %c0_i32_0 = arith.constant 0 : i32
    %c0_i32_1 = arith.constant 0 : i32
    return %c0_i32, %c0_i32_0 : i32, i32
  }
  func.func @transform_6(%arg0: i32) -> (i32, i32) {
    %c0_i32 = arith.constant 0 : i32
    %c0_i32_0 = arith.constant 0 : i32
    %c0_i32_1 = arith.constant 0 : i32
    return %c0_i32, %c0_i32_0 : i32, i32
  }
  func.func @transform_7(%arg0: i32) -> (i32, i32) {
    %c0_i32 = arith.constant 0 : i32
    %c0_i32_0 = arith.constant 0 : i32
    %c0_i32_1 = arith.constant 0 : i32
    return %c0_i32, %c0_i32_0 : i32, i32
  }
  func.func @transform_8(%arg0: i32) -> (i32, i32) {
    %c0_i32 = arith.constant 0 : i32
    %c0_i32_0 = arith.constant 0 : i32
    %c0_i32_1 = arith.constant 0 : i32
    return %c0_i32, %c0_i32_0 : i32, i32
  }
  func.func @transform_9(%arg0: i32) -> (i32, i32) {
    %c0_i32 = arith.constant 0 : i32
    %c0_i32_0 = arith.constant 0 : i32
    %c0_i32_1 = arith.constant 0 : i32
    return %c0_i32, %c0_i32_0 : i32, i32
  }
  func.func @transform_10(%arg0: i32) -> (i32, i32) {
    %c0_i32 = arith.constant 0 : i32
    %c0_i32_0 = arith.constant 0 : i32
    %c0_i32_1 = arith.constant 0 : i32
    return %c0_i32, %c0_i32_0 : i32, i32
  }
  func.func @transform_11(%arg0: i32) -> (i32, i32) {
    %c0_i32 = arith.constant 0 : i32
    %c0_i32_0 = arith.constant 0 : i32
    %c0_i32_1 = arith.constant 0 : i32
    return %c0_i32, %c0_i32_0 : i32, i32
  }
  func.func @transform_12(%arg0: i32) -> (i32, i32) {
    %c0_i32 = arith.constant 0 : i32
    %c0_i32_0 = arith.constant 0 : i32
    %c0_i32_1 = arith.constant 0 : i32
    return %c0_i32, %c0_i32_0 : i32, i32
  }
  func.func @transform_13(%arg0: i32) -> (i32, i32) {
    %c0_i32 = arith.constant 0 : i32
    %c0_i32_0 = arith.constant 0 : i32
    return %arg0, %c0_i32 : i32, i32
  }
  func.func @transform_14(%arg0: i32) -> (i32, i32) {
    %c0_i32 = arith.constant 0 : i32
    %c0_i32_0 = arith.constant 0 : i32
    %c0_i32_1 = arith.constant 0 : i32
    return %c0_i32, %c0_i32_0 : i32, i32
  }
}

module attributes {stable_mosaic.version = 14 : i64} {
  func.func @_gamma_body(%arg0: i32, %arg1: memref<2048x32xf32, #tpu.memory_space<vmem>>, %arg2: memref<2048x256xf32, #tpu.memory_space<vmem>>, %arg3: memref<2048x16xf32, #tpu.memory_space<vmem>>, %arg4: memref<256x256xf32, #tpu.memory_space<vmem>>, %arg5: memref<1x256xf32, #tpu.memory_space<vmem>>, %arg6: memref<1x16xf32, #tpu.memory_space<vmem>>, %arg7: memref<1x16xf32, #tpu.memory_space<vmem>>, %arg8: memref<16x256xf32, #tpu.memory_space<vmem>>, %arg9: memref<1x256xf32, #tpu.memory_space<vmem>>, %arg10: memref<1x32xf32, #tpu.memory_space<vmem>>, %arg11: memref<1x32xf32, #tpu.memory_space<vmem>>, %arg12: memref<32x32xf32, #tpu.memory_space<vmem>>, %arg13: memref<1x32xf32, #tpu.memory_space<vmem>>, %arg14: memref<128x256xf32, #tpu.memory_space<vmem>>) attributes {dimension_semantics = [#tpu.dimension_semantics<arbitrary>], iteration_bounds = array<i64: 64>, scalar_prefetch = 0 : i64, scratch_operands = 0 : i64, tpu.core_type = #tpu.core_type<tc>, window_params = [{transform_indices = @transform_0, window_bounds = array<i64: 2048, 32>}, {transform_indices = @transform_1, window_bounds = array<i64: 2048, 256>}, {transform_indices = @transform_2, window_bounds = array<i64: 2048, 16>}, {pipeline_mode = #tpu.pipeline_mode<synchronous>, transform_indices = @transform_3, window_bounds = array<i64: 256, 256>}, {pipeline_mode = #tpu.pipeline_mode<synchronous>, transform_indices = @transform_4, window_bounds = array<i64: 1, 256>}, {pipeline_mode = #tpu.pipeline_mode<synchronous>, transform_indices = @transform_5, window_bounds = array<i64: 1, 16>}, {pipeline_mode = #tpu.pipeline_mode<synchronous>, transform_indices = @transform_6, window_bounds = array<i64: 1, 16>}, {pipeline_mode = #tpu.pipeline_mode<synchronous>, transform_indices = @transform_7, window_bounds = array<i64: 16, 256>}, {pipeline_mode = #tpu.pipeline_mode<synchronous>, transform_indices = @transform_8, window_bounds = array<i64: 1, 256>}, {pipeline_mode = #tpu.pipeline_mode<synchronous>, transform_indices = @transform_9, window_bounds = array<i64: 1, 32>}, {pipeline_mode = #tpu.pipeline_mode<synchronous>, transform_indices = @transform_10, window_bounds = array<i64: 1, 32>}, {pipeline_mode = #tpu.pipeline_mode<synchronous>, transform_indices = @transform_11, window_bounds = array<i64: 32, 32>}, {pipeline_mode = #tpu.pipeline_mode<synchronous>, transform_indices = @transform_12, window_bounds = array<i64: 1, 32>}, {transform_indices = @transform_13, window_bounds = array<i64: 128, 256>}]} {
    %get3A = arith.constant 0 : index
    %get3A_0 = arith.constant 0 : index
    %get3A_1 = vector.load %arg1[%get3A, %get3A_0] : memref<2048x32xf32, #tpu.memory_space<vmem>>, vector<2048x32xf32>
    %get3A_2 = arith.constant 0 : index
    %get3A_3 = arith.constant 0 : index
    %get3A_4 = vector.load %arg10[%get3A_2, %get3A_3] : memref<1x32xf32, #tpu.memory_space<vmem>>, vector<1x32xf32>
    %mul3A = vector.broadcast %get3A_4 : vector<1x32xf32> to vector<2048x32xf32>
    %mul3A_5 = arith.mulf %get3A_1, %mul3A : vector<2048x32xf32>
    %get3A_6 = arith.constant 0 : index
    %get3A_7 = arith.constant 0 : index
    %get3A_8 = vector.load %arg11[%get3A_6, %get3A_7] : memref<1x32xf32, #tpu.memory_space<vmem>>, vector<1x32xf32>
    %add3A = vector.broadcast %get3A_8 : vector<1x32xf32> to vector<2048x32xf32>
    %add3A_9 = arith.addf %mul3A_5, %add3A : vector<2048x32xf32>
    %max3A = arith.constant 0.000000e+00 : f32
    %max3A_10 = vector.broadcast %max3A : f32 to vector<2048x32xf32>
    %max3A_11 = arith.maximumf %add3A_9, %max3A_10 : vector<2048x32xf32>
    %get3A_12 = arith.constant 0 : index
    %get3A_13 = arith.constant 0 : index
    %get3A_14 = vector.load %arg12[%get3A_12, %get3A_13] : memref<32x32xf32, #tpu.memory_space<vmem>>, vector<32x32xf32>
    %dot_general3A = arith.constant dense<0.000000e+00> : vector<2048x32xf32>
    %dot_general3A_15 = tpu.matmul %max3A_11, %get3A_14, %dot_general3A {dimension_numbers = #tpu.dot_dimension_numbers<[1], [0], [0], [1], [0, 0, 1, 1], [], []>, precision = #tpu.contract_precision<fp32>, transpose_lhs_hint = false} : vector<2048x32xf32>, vector<32x32xf32>, vector<2048x32xf32> -> vector<2048x32xf32>
    %get3A_16 = arith.constant 0 : index
    %get3A_17 = arith.constant 0 : index
    %get3A_18 = vector.load %arg13[%get3A_16, %get3A_17] : memref<1x32xf32, #tpu.memory_space<vmem>>, vector<1x32xf32>
    %add3A_19 = vector.broadcast %get3A_18 : vector<1x32xf32> to vector<2048x32xf32>
    %add3A_20 = arith.addf %dot_general3A_15, %add3A_19 : vector<2048x32xf32>
    %reshape3A = vector.shape_cast %add3A_20 : vector<2048x32xf32> to vector<128x16x32xf32>
    %reduce_max3A = arith.constant dense<0xFF800000> : vector<128x32xf32>
    %reduce_max3A_21 = vector.multi_reduction <maximumf>, %reshape3A, %reduce_max3A [1] : vector<128x16x32xf32> to vector<128x32xf32>
    %broadcast_in_dim3A = vector.shape_cast %reduce_max3A_21 : vector<128x32xf32> to vector<128x1x32xf32>
    %sub3A = vector.broadcast %broadcast_in_dim3A : vector<128x1x32xf32> to vector<128x16x32xf32>
    %sub3A_22 = arith.subf %reshape3A, %sub3A : vector<128x16x32xf32>
    %exp3A = math.exp %sub3A_22 : vector<128x16x32xf32>
    %reduce_sum3A = arith.constant dense<0.000000e+00> : vector<128x32xf32>
    %reduce_sum3A_23 = vector.multi_reduction <add>, %exp3A, %reduce_sum3A [1] : vector<128x16x32xf32> to vector<128x32xf32>
    %broadcast_in_dim3A_24 = vector.shape_cast %reduce_sum3A_23 : vector<128x32xf32> to vector<128x1x32xf32>
    %div3A = vector.broadcast %broadcast_in_dim3A_24 : vector<128x1x32xf32> to vector<128x16x32xf32>
    %div3A_25 = arith.divf %exp3A, %div3A : vector<128x16x32xf32>
    %concatenate3A = tpu.concatenate %div3A_25, %div3A_25, %div3A_25, %div3A_25, %div3A_25, %div3A_25, %div3A_25, %div3A_25 in 2 : vector<128x16x32xf32>, vector<128x16x32xf32>, vector<128x16x32xf32>, vector<128x16x32xf32>, vector<128x16x32xf32>, vector<128x16x32xf32>, vector<128x16x32xf32>, vector<128x16x32xf32> -> vector<128x16x256xf32>
    %get3A_26 = arith.constant 0 : index
    %get3A_27 = arith.constant 0 : index
    %get3A_28 = vector.load %arg2[%get3A_26, %get3A_27] : memref<2048x256xf32, #tpu.memory_space<vmem>>, vector<2048x256xf32>
    %get3A_29 = arith.constant 0 : index
    %get3A_30 = arith.constant 0 : index
    %get3A_31 = vector.load %arg4[%get3A_29, %get3A_30] : memref<256x256xf32, #tpu.memory_space<vmem>>, vector<256x256xf32>
    %convert_element_type3A = arith.truncf %get3A_28 : vector<2048x256xf32> to vector<2048x256xbf16>
    %convert_element_type3A_32 = arith.truncf %get3A_31 : vector<256x256xf32> to vector<256x256xbf16>
    %dot_general3A_33 = arith.constant dense<0.000000e+00> : vector<2048x256xf32>
    %dot_general3A_34 = tpu.matmul %convert_element_type3A, %convert_element_type3A_32, %dot_general3A_33 {dimension_numbers = #tpu.dot_dimension_numbers<[1], [0], [0], [1], [0, 0, 1, 1], [], []>, transpose_lhs_hint = false} : vector<2048x256xbf16>, vector<256x256xbf16>, vector<2048x256xf32> -> vector<2048x256xf32>
    %get3A_35 = arith.constant 0 : index
    %get3A_36 = arith.constant 0 : index
    %get3A_37 = vector.load %arg5[%get3A_35, %get3A_36] : memref<1x256xf32, #tpu.memory_space<vmem>>, vector<1x256xf32>
    %add3A_38 = vector.broadcast %get3A_37 : vector<1x256xf32> to vector<2048x256xf32>
    %add3A_39 = arith.addf %dot_general3A_34, %add3A_38 : vector<2048x256xf32>
    %get3A_40 = arith.constant 0 : index
    %get3A_41 = arith.constant 0 : index
    %get3A_42 = vector.load %arg3[%get3A_40, %get3A_41] : memref<2048x16xf32, #tpu.memory_space<vmem>>, vector<2048x16xf32>
    %get3A_43 = arith.constant 0 : index
    %get3A_44 = arith.constant 0 : index
    %get3A_45 = vector.load %arg6[%get3A_43, %get3A_44] : memref<1x16xf32, #tpu.memory_space<vmem>>, vector<1x16xf32>
    %mul3A_46 = vector.broadcast %get3A_45 : vector<1x16xf32> to vector<2048x16xf32>
    %mul3A_47 = arith.mulf %get3A_42, %mul3A_46 : vector<2048x16xf32>
    %get3A_48 = arith.constant 0 : index
    %get3A_49 = arith.constant 0 : index
    %get3A_50 = vector.load %arg7[%get3A_48, %get3A_49] : memref<1x16xf32, #tpu.memory_space<vmem>>, vector<1x16xf32>
    %add3A_51 = vector.broadcast %get3A_50 : vector<1x16xf32> to vector<2048x16xf32>
    %add3A_52 = arith.addf %mul3A_47, %add3A_51 : vector<2048x16xf32>
    %max3A_53 = arith.constant 0.000000e+00 : f32
    %max3A_54 = vector.broadcast %max3A_53 : f32 to vector<2048x16xf32>
    %max3A_55 = arith.maximumf %add3A_52, %max3A_54 : vector<2048x16xf32>
    %get3A_56 = arith.constant 0 : index
    %get3A_57 = arith.constant 0 : index
    %get3A_58 = vector.load %arg8[%get3A_56, %get3A_57] : memref<16x256xf32, #tpu.memory_space<vmem>>, vector<16x256xf32>
    %convert_element_type3A_59 = arith.truncf %max3A_55 : vector<2048x16xf32> to vector<2048x16xbf16>
    %convert_element_type3A_60 = arith.truncf %get3A_58 : vector<16x256xf32> to vector<16x256xbf16>
    %dot_general3A_61 = arith.constant dense<0.000000e+00> : vector<2048x256xf32>
    %dot_general3A_62 = tpu.matmul %convert_element_type3A_59, %convert_element_type3A_60, %dot_general3A_61 {dimension_numbers = #tpu.dot_dimension_numbers<[1], [0], [0], [1], [0, 0, 1, 1], [], []>, transpose_lhs_hint = false} : vector<2048x16xbf16>, vector<16x256xbf16>, vector<2048x256xf32> -> vector<2048x256xf32>
    %get3A_63 = arith.constant 0 : index
    %get3A_64 = arith.constant 0 : index
    %get3A_65 = vector.load %arg9[%get3A_63, %get3A_64] : memref<1x256xf32, #tpu.memory_space<vmem>>, vector<1x256xf32>
    %add3A_66 = vector.broadcast %get3A_65 : vector<1x256xf32> to vector<2048x256xf32>
    %add3A_67 = arith.addf %dot_general3A_62, %add3A_66 : vector<2048x256xf32>
    %add3A_68 = arith.addf %add3A_39, %add3A_67 : vector<2048x256xf32>
    %reshape3A_69 = vector.shape_cast %add3A_68 : vector<2048x256xf32> to vector<128x16x256xf32>
    %mul3A_70 = arith.mulf %reshape3A_69, %concatenate3A : vector<128x16x256xf32>
    %reduce_sum3A_71 = arith.constant dense<0.000000e+00> : vector<128x256xf32>
    %reduce_sum3A_72 = vector.multi_reduction <add>, %mul3A_70, %reduce_sum3A_71 [1] : vector<128x16x256xf32> to vector<128x256xf32>
    %swap3A = arith.constant 0 : index
    %swap3A_73 = arith.constant 0 : index
    %swap3A_74 = vector.load %arg14[%swap3A, %swap3A_73] : memref<128x256xf32, #tpu.memory_space<vmem>>, vector<128x256xf32>
    tpu.vector_store %arg14[%swap3A, %swap3A_73], %reduce_sum3A_72 {strides = array<i32>} : memref<128x256xf32, #tpu.memory_space<vmem>>, vector<128x256xf32>,
    return
  }
  func.func @transform_0(%arg0: i32) -> (i32, i32) {
    %c0_i32 = arith.constant 0 : i32
    %c0_i32_0 = arith.constant 0 : i32
    return %arg0, %c0_i32 : i32, i32
  }
  func.func @transform_1(%arg0: i32) -> (i32, i32) {
    %c0_i32 = arith.constant 0 : i32
    %c0_i32_0 = arith.constant 0 : i32
    return %arg0, %c0_i32 : i32, i32
  }
  func.func @transform_2(%arg0: i32) -> (i32, i32) {
    %c0_i32 = arith.constant 0 : i32
    %c0_i32_0 = arith.constant 0 : i32
    return %arg0, %c0_i32 : i32, i32
  }
  func.func @transform_3(%arg0: i32) -> (i32, i32) {
    %c0_i32 = arith.constant 0 : i32
    %c0_i32_0 = arith.constant 0 : i32
    %c0_i32_1 = arith.constant 0 : i32
    return %c0_i32, %c0_i32_0 : i32, i32
  }
  func.func @transform_4(%arg0: i32) -> (i32, i32) {
    %c0_i32 = arith.constant 0 : i32
    %c0_i32_0 = arith.constant 0 : i32
    %c0_i32_1 = arith.constant 0 : i32
    return %c0_i32, %c0_i32_0 : i32, i32
  }
  func.func @transform_5(%arg0: i32) -> (i32, i32) {
    %c0_i32 = arith.constant 0 : i32
    %c0_i32_0 = arith.constant 0 : i32
    %c0_i32_1 = arith.constant 0 : i32
    return %c0_i32, %c0_i32_0 : i32, i32
  }
  func.func @transform_6(%arg0: i32) -> (i32, i32) {
    %c0_i32 = arith.constant 0 : i32
    %c0_i32_0 = arith.constant 0 : i32
    %c0_i32_1 = arith.constant 0 : i32
    return %c0_i32, %c0_i32_0 : i32, i32
  }
  func.func @transform_7(%arg0: i32) -> (i32, i32) {
    %c0_i32 = arith.constant 0 : i32
    %c0_i32_0 = arith.constant 0 : i32
    %c0_i32_1 = arith.constant 0 : i32
    return %c0_i32, %c0_i32_0 : i32, i32
  }
  func.func @transform_8(%arg0: i32) -> (i32, i32) {
    %c0_i32 = arith.constant 0 : i32
    %c0_i32_0 = arith.constant 0 : i32
    %c0_i32_1 = arith.constant 0 : i32
    return %c0_i32, %c0_i32_0 : i32, i32
  }
  func.func @transform_9(%arg0: i32) -> (i32, i32) {
    %c0_i32 = arith.constant 0 : i32
    %c0_i32_0 = arith.constant 0 : i32
    %c0_i32_1 = arith.constant 0 : i32
    return %c0_i32, %c0_i32_0 : i32, i32
  }
  func.func @transform_10(%arg0: i32) -> (i32, i32) {
    %c0_i32 = arith.constant 0 : i32
    %c0_i32_0 = arith.constant 0 : i32
    %c0_i32_1 = arith.constant 0 : i32
    return %c0_i32, %c0_i32_0 : i32, i32
  }
  func.func @transform_11(%arg0: i32) -> (i32, i32) {
    %c0_i32 = arith.constant 0 : i32
    %c0_i32_0 = arith.constant 0 : i32
    %c0_i32_1 = arith.constant 0 : i32
    return %c0_i32, %c0_i32_0 : i32, i32
  }
  func.func @transform_12(%arg0: i32) -> (i32, i32) {
    %c0_i32 = arith.constant 0 : i32
    %c0_i32_0 = arith.constant 0 : i32
    %c0_i32_1 = arith.constant 0 : i32
    return %c0_i32, %c0_i32_0 : i32, i32
  }
  func.func @transform_13(%arg0: i32) -> (i32, i32) {
    %c0_i32 = arith.constant 0 : i32
    %c0_i32_0 = arith.constant 0 : i32
    return %arg0, %c0_i32 : i32, i32
  }
}

</mosaic_0001>

<sc_bundles>
// kernel: kernel.9.cloned.1.call-start
scs
__scs_entry_jumppad:
0x0: {  	(pc) =	sbr.rel $0x88, $3  }
0x1: {  	(tag) =	ssettag $0x0;
	lr =	simm.s32 $0x1  }
0x2: {  	[smem:$0x3F8C] =	sst lr;
	_ =	strace $0xD0000000  }
0x3: {  	_ = 	snop  }
0x4: {  	_ = 	snop  }
0x5: {  	_ = 	snop  }
0x6: {  	_ = 	snop  }
0x7: {  	_ = 	snop  }
__scs_overlays_trampoline_lowered:
0x8: {  	[smem:$0x3F9B] =	sst s0  }
0x9: {  	[smem:$0x3F9C] =	sst s1  }
0xa: {  	[smem:$0x3F9D] =	sst s2  }
0xb: {  	[smem:$0x3F9E] =	sst s3  }
0xc: {  	[smem:$0x3F9F] =	sst s4  }
0xd: {  	[smem:$0x3FA0] =	sst s5  }
0xe: {  	[smem:$0x3FA1] =	sst s6  }
0xf: {  	[smem:$0x3FA2] =	sst s7  }
0x10: {  	[smem:$0x3FA3] =	sst s8  }
0x11: {  	[smem:$0x3FA4] =	sst s9;
	s0 =	simm.s32 @!p0 $0x0  }
0x12: {  	s1 =	sld [smem:$0x3F8A];
	s0 =	simm.s32 @p0 $0x1  }
0x13: {  	[smem:$0x3FA5] =	sst s0;
	s0 =	simm.s32 @!p1 $0x0  }
0x14: {  	s2 =	sld [smem:$0x3F89];
	s0 =	simm.s32 @p1 $0x1  }
0x15: {  	[smem:$0x3FA6] =	sst s0;
	s0 =	simm.s32 @!p2 $0x0  }
0x16: {  	s3 =	sld [smem:$0x3FDB];
	s0 =	simm.s32 @p2 $0x1  }
0x17: {  	s4 =	simm.s32 $0x1BF5;
	[smem:$0x3FA8] =	sst s0  }
0x18: {  	s0 =	sld [smem:$0x3F8B];
	_ =	swait.ge [sflag:s4], $0x0  }
0x19: {  	s7 =	sld [smem:$0x3F8C]  }
0x1a: {  	s8 =	sadd.s32 $0xFFFFE003, lr  }
0x1b: {  	s9 =	sadd.s32 $0xFFFFFEF7, lr;
	s5 =	simm.s32 $0xFFFFFFFF;
	p2 =	slt.u32 s8, $0xFFFFF086  }
0x1c: {  	p1 =	slt.u32 s9, $0xF7A;
	s5 =	simm.s32 @!p2 $0x0  }
0x1d: {  	s5 =	simm.s32 @p1 $0x1;
	p0 =	seq.s32 s7, s2  }
0x1e: {  	s7 =	smul.u32 @!p0 $0xF7A, s2;
	p2 =	seq.s32 @!p0 s5, $0x0  }
0x1f: {  	s9 =	smul.u32 $0xF7A, s1;
	s8 =	simm.s32 @!p0 $0x1BF5;
	p2 =	por !p2, p0  }
0x20: {  	[sflag:s8] =	ssyncset.s32 @!p0 $0xFFFFF086;
	s6 =	sadd.s32 @!p0 s3, s7;
	s7 =	simm.s32 @!p0 $0x108  }
0x21: {  	s3 =	sadd.s32 s3, s9;
	s6 =	sadd.s32 @!p0 $0x88, s6;
	s7 =	simm.s32 @p2 $0x1082  }
0x22: {  	[simem:s7], [sflag:s8] =	dma.local @!p0 [hbm:s6], $0xF7A  }
0x23: {  	s9 =	sor.u32 $0xD0000000, s2;
	s6 =	simm.s32 $0x108;
	_ =	swait.ge @!p0 [sflag:s8], $0x0  }
0x24: {  	s3 =	sadd.s32 $0x88, s3;
	s6 =	simm.s32 @!p1 $0x1082;
	[sflag:s4] =	ssyncset.s32 $0xFFFFF086  }
0x25: {  	[simem:s6], [sflag:s4] =	dma.local [hbm:s3], $0xF7A  }
0x26: {  	[smem:$0x3F8C] =	sst s1;
	(tag) =	ssettag s2;
	_ =	strace s9  }
0x27: {  	s1 =	sld [smem:$0x3F9C]  }
0x28: {  	s2 =	sld [smem:$0x3F9D]  }
0x29: {  	s4 =	sld [smem:$0x3F9F]  }
0x2a: {  	p0 =	seq.s32 s5, $0x0;
	s5 =	sld [smem:$0x3FA0]  }
0x2b: {  	s6 =	sld [smem:$0x3FA1]  }
0x2c: {  	s7 =	sld [smem:$0x3FA2]  }
0x2d: {  	s3 =	simm.s32 $0x108;
	s8 =	sld [smem:$0x3FA3]  }
0x2e: {  	s3 =	simm.s32 @!p0 $0x1082;
	s9 =	sld [smem:$0x3FA4]  }
0x2f: {  	lr =	sadd.s32 s0, s3;
	s0 =	sld [smem:$0x3F9B]  }
0x30: {  	s3 =	sld [smem:$0x3F9E]  }
0x31: {  	[smem:$0x3FA7] =	sst s10  }
0x32: {  	s10 =	sld [smem:$0x3FA5];
	_ =	sdelay $0x3  }
0x33: {  	p0 =	seq.s32 s10, $0x1;
	s10 =	sld [smem:$0x3FA7];
	_ =	sdelay $0x3  }
0x34: {  	[smem:$0x3FA7] =	sst s10  }
0x35: {  	s10 =	sld [smem:$0x3FA6];
	_ =	sdelay $0x3  }
0x36: {  	p1 =	seq.s32 s10, $0x1;
	s10 =	sld [smem:$0x3FA7];
	_ =	sdelay $0x3  }
0x37: {  	[smem:$0x3FA7] =	sst s10  }
0x38: {  	s10 =	sld [smem:$0x3FA8]  }
0x39: {  	_ = 	snop;
	(pc) =	sbr.ind lr, $3  }
0x3a: {  	_ = 	snop  }
0x3b: {  	_ = 	snop  }
0x3c: {  	p2 =	seq.s32 s10, $0x1;
	s10 =	sld [smem:$0x3FA7]  }
0x3d: {  	_ =	shalt  }
0x3e: {  	_ =	shalt  }
0x3f: {  	_ =	shalt  }
0x40: {  	_ =	shalt  }
0x41: {  	_ =	shalt  }
0x42: {  	_ =	shalt  }
0x43: {  	_ =	shalt  }
0x44: {  	_ =	shalt  }
0x45: {  	_ =	shalt  }
0x46: {  	_ =	shalt  }
0x47: {  	_ =	shalt  }
0x48: {  	_ =	shalt  }
0x49: {  	_ =	shalt  }
0x4a: {  	_ =	shalt  }
0x4b: {  	_ =	shalt  }
0x4c: {  	_ =	shalt  }
0x4d: {  	_ =	shalt  }
0x4e: {  	_ =	shalt  }
0x4f: {  	_ =	shalt  }
0x50: {  	_ =	shalt  }
0x51: {  	_ =	shalt  }
0x52: {  	_ =	shalt  }
0x53: {  	_ =	shalt  }
0x54: {  	_ =	shalt  }
0x55: {  	_ =	shalt  }
0x56: {  	_ =	shalt  }
0x57: {  	_ =	shalt  }
0x58: {  	_ =	shalt  }
0x59: {  	_ =	shalt  }
0x5a: {  	_ =	shalt  }
0x5b: {  	_ =	shalt  }
0x5c: {  	_ =	shalt  }
0x5d: {  	_ =	shalt  }
0x5e: {  	_ =	shalt  }
0x5f: {  	_ =	shalt  }
0x60: {  	_ =	shalt  }
0x61: {  	_ =	shalt  }
0x62: {  	_ =	shalt  }
0x63: {  	_ =	shalt  }
0x64: {  	_ =	shalt  }
0x65: {  	_ =	shalt  }
0x66: {  	_ =	shalt  }
0x67: {  	_ =	shalt  }
0x68: {  	_ =	shalt  }
0x69: {  	_ =	shalt  }
0x6a: {  	_ =	shalt  }
0x6b: {  	_ =	shalt  }
0x6c: {  	_ =	shalt  }
0x6d: {  	_ =	shalt  }
0x6e: {  	_ =	shalt  }
0x6f: {  	_ =	shalt  }
0x70: {  	_ =	shalt  }
0x71: {  	_ =	shalt  }
0x72: {  	_ =	shalt  }
0x73: {  	_ =	shalt  }
0x74: {  	_ =	shalt  }
0x75: {  	_ =	shalt  }
0x76: {  	_ =	shalt  }
0x77: {  	_ =	shalt  }
0x78: {  	_ =	shalt  }
0x79: {  	_ =	shalt  }
0x7a: {  	_ =	shalt  }
0x7b: {  	_ =	shalt  }
0x7c: {  	_ =	shalt  }
0x7d: {  	_ =	shalt  }
0x7e: {  	_ =	shalt  }
0x7f: {  	_ =	shalt  }
0x80: {  	_ =	shalt  }
0x81: {  	_ =	shalt  }
0x82: {  	_ =	shalt  }
0x83: {  	_ =	shalt  }
0x84: {  	_ =	shalt  }
0x85: {  	_ =	shalt  }
0x86: {  	_ =	shalt  }
0x87: {  	_ =	shalt  }
.Lfunc_end0:
.L_simem_size_0:
called_computation_lowered:
.L_overlay_start_0:
0x88: {  	s2 =	sld [smem:$0x3FD9]  }
0x89: {  	s3 =	sld [smem:$0x3FFE];
	_ =	sdelay $0x1  }
0x8a: {  	s1 =	srdreg.scid  }
0x8b: {  	s0 =	sand.u32 $0x1, s1  }
0x8c: {  	s16 =	sshll.u32 s0, $0xA;
	s2 =	sadd.s32 s3, s2  }
0x8d: {  	s2 =	sadd.s32 s2, s16  }
0x8e: {  	[smem:$0x3FB3] =	sst s2  }
0x8f: {  	_ = 	snop  }
0x90: {  	(tm) =	ssettm $0x1  }
0x91: {  	s17 =	sld [smem:$0x3FFB];
	_ =	sdelay $0x3  }
0x92: {  	_ =	strace s17  }
0x93: {  	s2 =	sld [smem:$0x3FFC];
	_ =	sdelay $0x3  }
0x94: {  	_ =	strace s2  }
0x95: {  	s2 =	sld [smem:$0x3FFD];
	_ =	sdelay $0x3  }
0x96: {  	_ =	strace s2  }
0x97: {  	_ =	strace $0x8FFFFFFF  }
0x98: {  	s18 =	sld [smem:$0x3FDB];
	_ =	sdelay $0x1  }
0x99: {  	s19 =	simm.s32 $_scs_section_size  }
0x9a: {  	s4 =	simm.s32 $_size__tile_overlayer_lowered;
	s5 =	simm.s32 $_tile_overlayer_lowered  }
0x9b: {  	s22 =	simm.s32 $0x1BFF;
	s21 =	sshll.u32 s5, $0x1;
	s2 =	sadd.s32 s19, s18  }
0x9c: {  	s6 =	simm.s32 $0x0;
	s20 =	sshll.u32 s4, $0x1;
	s4 =	sadd.s32 s21, s2  }
0x9d: {  	[timem:s6], [sflag:s22] =	dma.local [hbm:s4], s20  }
0x9e: {  	_ =	swait.ge [sflag:s22], s20  }
0x9f: {  	s3 =	ssub.s32 $0x0, s20;
	[sflag:s22] =	ssyncset.done $0x0  }
0xa0: {  	[sflag:s22] =	ssyncadd.s32 s3;
	_ =	sdelay $0x1  }
0xa1: {  	s23 =	simm.s32 $0x1B8B  }
0xa2: {  	_ =	swait.ge [sflag:s23], $0x1  }
0xa3: {  	[sflag:s23] =	ssyncset.done $0x0  }
0xa4: {  	s25 =	simm.s32 $0x1B8E;
	s24 =	sld [smem:$0x3FFE];
	[sflag:s23] =	ssyncadd.s32 $0xFFFFFFFF  }
0xa5: {  	s26 =	simm.s32 $execute0_lowered;
	[smem:$0x3FD2] =	sst s25  }
0xa6: {  	s4 =	sshll.u32 s26, $0x1;
	_ =	strace $0x80000046;
	[dreg:$0x1] =	wrdreg $0xFFFFFFFF  }
0xa7: {  	s28 =	simm.s32 $_size_execute0_lowered;
	s2 =	sadd.s32 s2, s4;
	[dreg:$0x0] =	wrdreg $0x0  }
0xa8: {  	s4 =	sshll.u32 s28, $0x1;
	[dreg:$0x2] =	wrdreg s2  }
0xa9: {  	[dreg:$0x3] =	wrdreg s4  }
0xaa: {  	[dreg:$0x4] =	wrdreg $0xC0  }
0xab: {  	_ =	task [dreg:s6], $0x5FFFF  }
0xac: {  	[dreg:$0x1] =	wrdreg $0xFFFFFFFF  }
0xad: {  	[dreg:$0x0] =	wrdreg $0x60  }
0xae: {  	[dreg:$0x2] =	wrdreg s24  }
0xaf: {  	[dreg:$0x3] =	wrdreg $0x9  }
0xb0: {  	_ =	task.clear_ibuf [dreg:s6], $0x4FFFF;
	_ =	strace $0x90000046  }
0xb1: {  	s29 =	simm.s32 $0x9;
	_ =	strace $0x80000048  }
0xb2: {  	_ =	swait.ge [sflag:s29], $0x1  }
0xb3: {  	[sflag:s29] =	ssyncadd.s32 $0xFFFFFFFF  }
0xb4: {  	_ =	strace $0x90000048  }
0xb5: {  	_ =	sfence  }
0xb6: {  	s30 =	sld [smem:$0x0];
	_ =	sdelay $0x2  }
0xb7: {  	s31 =	sshll.u32 s1, $0xD;
	s1 =	sshrl.u32 s1, $0x2  }
0xb8: {  	s3 =	sand.u32 $0x4000, s31;
	s1 =	sadd.s32 s1, s30  }
0xb9: {  	s0 =	sor.u32 s3, s0;
	s1 =	sshll.u32 s1, $0x11  }
0xba: {  	s0 =	sor.u32 s1, s0  }
0xbb: {  	s0 =	sadd.s32 $0x8F2B, s0  }
0xbc: {  	[sflag:s0] =	ssyncadd.remote.s32 $0x1  }
0xbd: {  	_ =	sfence.sel $0xFFFF  }
0xbe: {  	[dreg:$0x0] =	wrdreg $0xFFFFFFFF;
	(pc) =	sbr.abs _section_cstart, $3  }
0xbf: {  	[dreg:$0x1] =	wrdreg $0xFFFFFFFF  }
0xc0: {  	_ =	task.clear_ibuf [dreg:s6], $0x2FFFF;
	_ =	strace $0x9FFFFFFF  }
0xc1: {  	(tm) =	ssettm $0x7FFFFFFF  }
tec
execute0_lowered:
.L_overlay_start_1:
0x0: {  	(tag) =	ssettag $0x1  }
0x1: {  	s0 =	rddreg [dreg:$0x0]  }
0x2: {  	s5 =	stileid.u32;
	s1 =	srdreg.scid  }
0x3: {  	s2 =	simm.s32 $0x0;
	s14 =	simm.s32 $0x880;
	s15 =	simm.s32 $0xC80  }
0x4: {  	s17 =	simm.s32 $0x1480;
	s18 =	simm.s32 $0x1880;
	s19 =	simm.s32 $0x2080  }
0x5: {  	s20 =	simm.s32 $0x2480;
	s21 =	simm.s32 $0x2C80;
	[smem:$0x7FF] =	sst s2  }
0x6: {  	s22 =	simm.s32 $0x3080;
	_ =	strace $0x80000047;
	[dreg:$0x3] =	wrdreg s14  }
0x7: {  	s23 =	simm.s32 $0x3880;
	s25 =	simm.s32 $0x3C80;
	[dreg:$0x4] =	wrdreg s15  }
0x8: {  	s26 =	simm.s32 $0x4480;
	s8 =	simm.s32 $0x80;
	[dreg:$0x5] =	wrdreg s17  }
0x9: {  	s9 =	simm.s32 $0x4880;
	s10 =	simm.s32 $0x5080;
	[dreg:$0x6] =	wrdreg s18  }
0xa: {  	s11 =	simm.s32 $0x5480;
	s28 =	simm.s32 $0xB480;
	[dreg:$0x7] =	wrdreg s19  }
0xb: {  	s29 =	simm.s32 $0xBC80;
	s30 =	simm.s32 $0x1;
	[dreg:$0x8] =	wrdreg s20  }
0xc: {  	s31 =	simm.s32 $0x0;
	s3 =	sshll.u32 s5, $0xA;
	[dreg:$0x9] =	wrdreg s21  }
0xd: {  	s1 =	sand.u32 $0x1, s1;
	s12 =	smul.u32 $0x60000, s5;
	[dreg:$0xa] =	wrdreg s22  }
0xe: {  	s3 =	sadd.s32 s3, s0;
	s4 =	sshll.u32 s1, $0x9;
	[dreg:$0xb] =	wrdreg s23  }
0xf: {  	s16 =	ssub.s32 $0x2, s1;
	s1 =	smul.u32 $0x30000, s1;
	[dreg:$0xc] =	wrdreg s25  }
0x10: {  	[dreg:$0xd] =	wrdreg s26;
	s14 =	simm.s32 $0x6880;
	s15 =	simm.s32 $0x6C80  }
0x11: {  	s17 =	simm.s32 $0x7880;
	s18 =	simm.s32 $0x8080;
	s19 =	simm.s32 $0x8480  }
0x12: {  	s20 =	simm.s32 $0x8C80;
	s21 =	simm.s32 $0x9080;
	s22 =	simm.s32 $0x9880  }
0x13: {  	s23 =	simm.s32 $0x9C80;
	s25 =	simm.s32 $0xA880;
	s26 =	simm.s32 $0xB080  }
0x14: {  	s3 =	sadd.s32 s4, s3;
	s6 =	sadd.s32 s12, s0;
	s7 =	sshrl.u32 s16, $0x1  }
0x15: {  	s4 =	sadd.s32 $0x8B00, s0;
	s12 =	simm.s32 $0x5C80;
	s13 =	sadd.s32 $0x4A00, s3  }
0x16: {  	s3 =	sadd.s32 $0x8A00, s0;
	s5 =	ssub.s32 s16, s7;
	s1 =	sadd.s32 s1, s6  }
0x17: {  	v2 =	vlaneseq.u32;
	s7 =	simm.s32 $0x2;
	[dreg:$0x2] =	wrdreg s13;
	s5 =	smax.u32 s5, $0x1  }
0x18: {  	vm0 =	vmmov $0xffff;
	vm1 =	vmmov $0xff;
	v1 =	vshrl.u32 v2, $0x3;
	s16 =	simm.s32 $0x7480;
	s24 =	sadd.s32 $0x68A00, s1;
	[dreg:$0xe] =	wrdreg s5  }
0x19: {  	v0 =	vand.u32 $0x7, v2;
	v2 =	vor.u32 $0x8, v2;
	v1 =	vmul.u32 $0x8, v1;
	s13 =	simm.s32 $0x6080;
	[dreg:$0xf] =	wrdreg s24;
	s24 =	simm.s32 $0xA480  }
.LBB2_1:
0x1a: {  	s6 =	rddreg [dreg:$0xf];
	s1 =	simm.s32 $0x0  }
.LBB2_2:
0x1b: {  	s5 =	rddreg [dreg:$0x2]  }
0x1c: {  	s5 =	sadd.s32 s1, s5  }
0x1d: {  	[tilespmem:s2], [sflag:$0x2] =	stream.linear.gather [hbm4b:s5+s2], $0x80, $0x38;
	[tilespmem:$0xC080] =	vst v63  }
0x1e: {  	_ =	swait.ge [sflag:s7], $0x80  }
0x1f: {  	[sflag:s7] =	ssyncset.done $0x0  }
0x20: {  	[sflag:s7] =	ssyncadd.s32 $0xFFFFFF80  }
0x21: {  	v3 =	vld [tilespmem:$0x0];
	_ =	sdelay $0x4  }
0x22: {  	v4 =	vshrl.u32 v3, $0x3  }
0x23: {  	v4 =	vmul.u32 $0x18, v4  }
0x24: {  	v3 =	vand.u32 $0x7, v3  }
0x25: {  	v3 =	vor.u32 v3, v4  }
0x26: {  	v4 =	vperm.xlane v3, v0;
	_ =	sdelay $0x1  }
0x27: {  	v4 =	vadd.s32 v1, v4;
	_ =	sdelay $0x1  }
0x28: {  	v3 =	vperm.xlane v3, v2;
	_ =	sdelay $0x1  }
0x29: {  	v3 =	vadd.s32 v1, v3  }
0x2a: {  	[tilespmem:s8], [sflag:$0x1] =	stream.indirect_vreg.gather [hbm4b:s3+s2], $0x80, v4, vm0, $0xb8;
	[tilespmem:$0xC080] =	vst v63  }
0x2b: {  	s5 =	rddreg [dreg:$0x3]  }
0x2c: {  	[tilespmem:s5], [sflag:$0x1] =	stream.indirect_vreg.gather [hbm4b:s4+s2], $0x80, v4, vm1, $0xb8;
	[tilespmem:$0xC080] =	vst v63  }
0x2d: {  	s0 =	rddreg [dreg:$0x4]  }
0x2e: {  	[tilespmem:s0], [sflag:$0x1] =	stream.indirect_vreg.gather [hbm4b:s3+s2], $0x80, v3, vm0, $0xb8;
	[tilespmem:$0xC080] =	vst v63  }
0x2f: {  	s5 =	rddreg [dreg:$0x5]  }
0x30: {  	[tilespmem:s5], [sflag:$0x1] =	stream.indirect_vreg.gather [hbm4b:s4+s2], $0x80, v3, vm1, $0xb8;
	[tilespmem:$0xC080] =	vst v63  }
0x31: {  	v3 =	vld [tilespmem:$0x10];
	_ =	sdelay $0x4  }
0x32: {  	v57 =	vshrl.u32 v3, $0x3  }
0x33: {  	v4 =	vmul.u32 $0x18, v57  }
0x34: {  	v3 =	vand.u32 $0x7, v3  }
0x35: {  	v3 =	vor.u32 v3, v4  }
0x36: {  	v4 =	vperm.xlane v3, v0;
	_ =	sdelay $0x1  }
0x37: {  	v4 =	vadd.s32 v1, v4;
	_ =	sdelay $0x1  }
0x38: {  	v3 =	vperm.xlane v3, v2;
	_ =	sdelay $0x1  }
0x39: {  	s0 =	rddreg [dreg:$0x6];
	v3 =	vadd.s32 v1, v3  }
0x3a: {  	[tilespmem:s0], [sflag:$0x1] =	stream.indirect_vreg.gather [hbm4b:s3+s2], $0x80, v4, vm0, $0xb8;
	[tilespmem:$0xC080] =	vst v63  }
0x3b: {  	s5 =	rddreg [dreg:$0x7]  }
0x3c: {  	[tilespmem:s5], [sflag:$0x1] =	stream.indirect_vreg.gather [hbm4b:s4+s2], $0x80, v4, vm1, $0xb8;
	[tilespmem:$0xC080] =	vst v63  }
0x3d: {  	s0 =	rddreg [dreg:$0x8]  }
0x3e: {  	[tilespmem:s0], [sflag:$0x1] =	stream.indirect_vreg.gather [hbm4b:s3+s2], $0x80, v3, vm0, $0xb8;
	[tilespmem:$0xC080] =	vst v63  }
0x3f: {  	s5 =	rddreg [dreg:$0x9]  }
0x40: {  	[tilespmem:s5], [sflag:$0x1] =	stream.indirect_vreg.gather [hbm4b:s4+s2], $0x80, v3, vm1, $0xb8;
	[tilespmem:$0xC080] =	vst v63  }
0x41: {  	v3 =	vld [tilespmem:$0x20];
	_ =	sdelay $0x4  }
0x42: {  	v58 =	vshrl.u32 v3, $0x3  }
0x43: {  	v4 =	vmul.u32 $0x18, v58  }
0x44: {  	v3 =	vand.u32 $0x7, v3  }
0x45: {  	v3 =	vor.u32 v3, v4  }
0x46: {  	v4 =	vperm.xlane v3, v0;
	_ =	sdelay $0x1  }
0x47: {  	v4 =	vadd.s32 v1, v4;
	_ =	sdelay $0x1  }
0x48: {  	v3 =	vperm.xlane v3, v2;
	_ =	sdelay $0x1  }
0x49: {  	s0 =	rddreg [dreg:$0xa];
	v3 =	vadd.s32 v1, v3  }
0x4a: {  	[tilespmem:s0], [sflag:$0x1] =	stream.indirect_vreg.gather [hbm4b:s3+s2], $0x80, v4, vm0, $0xb8;
	[tilespmem:$0xC080] =	vst v63  }
0x4b: {  	s5 =	rddreg [dreg:$0xb]  }
0x4c: {  	[tilespmem:s5], [sflag:$0x1] =	stream.indirect_vreg.gather [hbm4b:s4+s2], $0x80, v4, vm1, $0xb8;
	[tilespmem:$0xC080] =	vst v63  }
0x4d: {  	s0 =	rddreg [dreg:$0xc]  }
0x4e: {  	[tilespmem:s0], [sflag:$0x1] =	stream.indirect_vreg.gather [hbm4b:s3+s2], $0x80, v3, vm0, $0xb8;
	[tilespmem:$0xC080] =	vst v63  }
0x4f: {  	s5 =	rddreg [dreg:$0xd]  }
0x50: {  	[tilespmem:s5], [sflag:$0x1] =	stream.indirect_vreg.gather [hbm4b:s4+s2], $0x80, v3, vm1, $0xb8;
	[tilespmem:$0xC080] =	vst v63  }
0x51: {  	v3 =	vld [tilespmem:$0x30];
	_ =	sdelay $0x4  }
0x52: {  	v59 =	vshrl.u32 v3, $0x3  }
0x53: {  	v4 =	vmul.u32 $0x18, v59  }
0x54: {  	v3 =	vand.u32 $0x7, v3  }
0x55: {  	v3 =	vor.u32 v3, v4  }
0x56: {  	v4 =	vperm.xlane v3, v0;
	_ =	sdelay $0x1  }
0x57: {  	v4 =	vadd.s32 v1, v4;
	_ =	sdelay $0x1  }
0x58: {  	v3 =	vperm.xlane v3, v2;
	_ =	sdelay $0x1  }
0x59: {  	v3 =	vadd.s32 v1, v3  }
0x5a: {  	[tilespmem:s9], [sflag:$0x1] =	stream.indirect_vreg.gather [hbm4b:s3+s2], $0x80, v4, vm0, $0xb8;
	[tilespmem:$0xC080] =	vst v63  }
0x5b: {  	_ = 	snop  }
0x5c: {  	[tilespmem:s10], [sflag:$0x1] =	stream.indirect_vreg.gather [hbm4b:s4+s2], $0x80, v4, vm1, $0xb8;
	[tilespmem:$0xC080] =	vst v63  }
0x5d: {  	_ = 	snop  }
0x5e: {  	[tilespmem:s11], [sflag:$0x1] =	stream.indirect_vreg.gather [hbm4b:s3+s2], $0x80, v3, vm0, $0xb8;
	[tilespmem:$0xC080] =	vst v63  }
0x5f: {  	_ = 	snop  }
0x60: {  	[tilespmem:s12], [sflag:$0x1] =	stream.indirect_vreg.gather [hbm4b:s4+s2], $0x80, v3, vm1, $0xb8;
	[tilespmem:$0xC080] =	vst v63  }
0x61: {  	v3 =	vld [tilespmem:$0x40];
	_ =	sdelay $0x4  }
0x62: {  	v60 =	vshrl.u32 v3, $0x3  }
0x63: {  	v4 =	vmul.u32 $0x18, v60  }
0x64: {  	v3 =	vand.u32 $0x7, v3  }
0x65: {  	v3 =	vor.u32 v3, v4  }
0x66: {  	v4 =	vperm.xlane v3, v0;
	_ =	sdelay $0x1  }
0x67: {  	v4 =	vadd.s32 v1, v4;
	_ =	sdelay $0x1  }
0x68: {  	v3 =	vperm.xlane v3, v2;
	_ =	sdelay $0x1  }
0x69: {  	v3 =	vadd.s32 v1, v3  }
0x6a: {  	[tilespmem:s13], [sflag:$0x1] =	stream.indirect_vreg.gather [hbm4b:s3+s2], $0x80, v4, vm0, $0xb8;
	[tilespmem:$0xC080] =	vst v63  }
0x6b: {  	_ = 	snop  }
0x6c: {  	[tilespmem:s14], [sflag:$0x1] =	stream.indirect_vreg.gather [hbm4b:s4+s2], $0x80, v4, vm1, $0xb8;
	[tilespmem:$0xC080] =	vst v63  }
0x6d: {  	_ = 	snop  }
0x6e: {  	[tilespmem:s15], [sflag:$0x1] =	stream.indirect_vreg.gather [hbm4b:s3+s2], $0x80, v3, vm0, $0xb8;
	[tilespmem:$0xC080] =	vst v63  }
0x6f: {  	_ = 	snop  }
0x70: {  	[tilespmem:s16], [sflag:$0x1] =	stream.indirect_vreg.gather [hbm4b:s4+s2], $0x80, v3, vm1, $0xb8;
	[tilespmem:$0xC080] =	vst v63  }
0x71: {  	v3 =	vld [tilespmem:$0x50];
	_ =	sdelay $0x4  }
0x72: {  	v61 =	vshrl.u32 v3, $0x3  }
0x73: {  	v4 =	vmul.u32 $0x18, v61  }
0x74: {  	v3 =	vand.u32 $0x7, v3  }
0x75: {  	v3 =	vor.u32 v3, v4  }
0x76: {  	v4 =	vperm.xlane v3, v0;
	_ =	sdelay $0x1  }
0x77: {  	v4 =	vadd.s32 v1, v4;
	_ =	sdelay $0x1  }
0x78: {  	v3 =	vperm.xlane v3, v2;
	_ =	sdelay $0x1  }
0x79: {  	v3 =	vadd.s32 v1, v3  }
0x7a: {  	[tilespmem:s17], [sflag:$0x1] =	stream.indirect_vreg.gather [hbm4b:s3+s2], $0x80, v4, vm0, $0xb8;
	[tilespmem:$0xC080] =	vst v63  }
0x7b: {  	_ = 	snop  }
0x7c: {  	[tilespmem:s18], [sflag:$0x1] =	stream.indirect_vreg.gather [hbm4b:s4+s2], $0x80, v4, vm1, $0xb8;
	[tilespmem:$0xC080] =	vst v63  }
0x7d: {  	_ = 	snop  }
0x7e: {  	[tilespmem:s19], [sflag:$0x1] =	stream.indirect_vreg.gather [hbm4b:s3+s2], $0x80, v3, vm0, $0xb8;
	[tilespmem:$0xC080] =	vst v63  }
0x7f: {  	_ = 	snop  }
0x80: {  	[tilespmem:s20], [sflag:$0x1] =	stream.indirect_vreg.gather [hbm4b:s4+s2], $0x80, v3, vm1, $0xb8;
	[tilespmem:$0xC080] =	vst v63  }
0x81: {  	v3 =	vld [tilespmem:$0x60];
	_ =	sdelay $0x4  }
0x82: {  	v62 =	vshrl.u32 v3, $0x3  }
0x83: {  	v4 =	vmul.u32 $0x18, v62  }
0x84: {  	v3 =	vand.u32 $0x7, v3  }
0x85: {  	v3 =	vor.u32 v3, v4  }
0x86: {  	v4 =	vperm.xlane v3, v0;
	_ =	sdelay $0x1  }
0x87: {  	v4 =	vadd.s32 v1, v4;
	_ =	sdelay $0x1  }
0x88: {  	v3 =	vperm.xlane v3, v2;
	_ =	sdelay $0x1  }
0x89: {  	v3 =	vadd.s32 v1, v3  }
0x8a: {  	[tilespmem:s21], [sflag:$0x1] =	stream.indirect_vreg.gather [hbm4b:s3+s2], $0x80, v4, vm0, $0xb8;
	[tilespmem:$0xC080] =	vst v63  }
0x8b: {  	_ = 	snop  }
0x8c: {  	[tilespmem:s22], [sflag:$0x1] =	stream.indirect_vreg.gather [hbm4b:s4+s2], $0x80, v4, vm1, $0xb8;
	[tilespmem:$0xC080] =	vst v63  }
0x8d: {  	_ = 	snop  }
0x8e: {  	[tilespmem:s23], [sflag:$0x1] =	stream.indirect_vreg.gather [hbm4b:s3+s2], $0x80, v3, vm0, $0xb8;
	[tilespmem:$0xC080] =	vst v63  }
0x8f: {  	_ = 	snop  }
0x90: {  	[tilespmem:s24], [sflag:$0x1] =	stream.indirect_vreg.gather [hbm4b:s4+s2], $0x80, v3, vm1, $0xb8;
	[tilespmem:$0xC080] =	vst v63  }
0x91: {  	v3 =	vld [tilespmem:$0x70];
	_ =	sdelay $0x4  }
0x92: {  	v63 =	vshrl.u32 v3, $0x3  }
0x93: {  	v4 =	vmul.u32 $0x18, v63  }
0x94: {  	v3 =	vand.u32 $0x7, v3  }
0x95: {  	v3 =	vor.u32 v3, v4  }
0x96: {  	v4 =	vperm.xlane v3, v0;
	_ =	sdelay $0x1  }
0x97: {  	v4 =	vadd.s32 v1, v4;
	_ =	sdelay $0x1  }
0x98: {  	v3 =	vperm.xlane v3, v2;
	_ =	sdelay $0x1  }
0x99: {  	v3 =	vadd.s32 v1, v3  }
0x9a: {  	[tilespmem:s25], [sflag:$0x1] =	stream.indirect_vreg.gather [hbm4b:s3+s2], $0x80, v4, vm0, $0xb8;
	[tilespmem:$0xC080] =	vst v63  }
0x9b: {  	_ = 	snop  }
0x9c: {  	[tilespmem:s26], [sflag:$0x1] =	stream.indirect_vreg.gather [hbm4b:s4+s2], $0x80, v4, vm1, $0xb8;
	[tilespmem:$0xC080] =	vst v63  }
0x9d: {  	_ = 	snop  }
0x9e: {  	[tilespmem:s28], [sflag:$0x1] =	stream.indirect_vreg.gather [hbm4b:s3+s2], $0x80, v3, vm0, $0xb8;
	[tilespmem:$0xC080] =	vst v63  }
0x9f: {  	_ = 	snop  }
0xa0: {  	[tilespmem:s29], [sflag:$0x1] =	stream.indirect_vreg.gather [hbm4b:s4+s2], $0x80, v3, vm1, $0xb8;
	[tilespmem:$0xC080] =	vst v63  }
0xa1: {  	_ =	swait.ge [sflag:s30], $0xC000  }
0xa2: {  	p0 =	sne.s32 s1, $0x1F0;
	[sflag:s30] =	ssyncset.done $0x0  }
.Ltmp0:
0xa3: {  	[sflag:s30] =	ssyncadd.s32 $0xFFFF4000;
	(pc) =	sbr.rel @p0 .LBB2_2-.Ltmp0, $4  }
0xa4: {  	[hbm4b:s6+s2] =	stream.linear.scatter [tilespmem:s8], [sflag:$0x2], $0xC000, $0x38;
	[tilespmem:$0xC080] =	vst v63  }
0xa5: {  	_ =	swait.ge [sflag:s7], $0xC000  }
0xa6: {  	[sflag:s7] =	ssyncset.done $0x0  }
0xa7: {  	s1 =	sadd.s32 $0x10, s1;
	s6 =	sadd.s32 $0x1800, s6;
	[sflag:s7] =	ssyncadd.s32 $0xFFFF4000  }
0xa8: {  	s31 =	sadd.s32 $0x1, s31;
	s0 =	rddreg [dreg:$0xe]  }
0xa9: {  	p0 =	sne.s32 s31, s0  }
.Ltmp1:
0xaa: {  	_ = 	snop;
	(pc) =	sbr.rel @p0 .LBB2_1-.Ltmp1, $1  }
0xab: {  	_ =	sdelay $0x3  }
0xac: {  	_ =	sfence.sel $0x180000  }
0xad: {  	[bflag:$0x0] =	sbarrier.arrive $0xFFFF  }
0xae: {  	_ =	strace $0x90000047  }
0xaf: {  	s0 =	stileid.u32;
	[bflag:$0x2] =	sbarrier.arrive $0xFFFF  }
0xb0: {  	p0 =	sne.s32 s0, $0x0;
	s0 =	rddreg [dreg:$0x1]  }
0xb1: {  	s0 =	sadd.s32 @!p0 $0x100000, s0  }
0xb2: {  	[sflag:s0] =	ssyncadd.tile.s32 @!p0 $0x1;
	_ =	shalt  }
.Lfunc_end2:
_tile_overlayer_lowered:
.L_overlay_start_2:
0xb3: {  	(tag) =	ssettag $0x2  }
0xb4: {  	s0 =	rddreg [dreg:$0x0];
	s2 =	stileid.u32  }
0xb5: {  	s1 =	rddreg [dreg:$0x1];
	p0 =	sne.s32 s2, $0x0  }
0xb6: {  	s3 =	rddreg [dreg:$0x2];
	[bflag:$0x3] =	sbarrier.arrive $0xFFFF;
	s2 =	simm.s32 @!p0 $0x1C02  }
0xb7: {  	[timem:s3], [sflag:s2] =	dma.local @!p0 [hbm:s0], s1  }
0xb8: {  	s0 =	simm.s32 @!p0 $0x2  }
0xb9: {  	_ =	swait.ge @!p0 [sflag:s0], s1  }
0xba: {  	s1 =	ssub.s32 @!p0 $0x0, s1;
	[sflag:s0] =	ssyncset.done @!p0 $0x0  }
0xbb: {  	[sflag:s0] =	ssyncadd.s32 @!p0 s1  }
0xbc: {  	[bflag:$0x3] =	sbarrier.arrive $0xFFFF  }
0xbd: {  	_ =	shalt  }

</sc_bundles>
